<compile_context>
chip_gen: v7x
topology: tpu7x:2x2x1
jax: 0.10.2.dev20260603
libtpu: 0.0.44.dev20260713+nightly
codegen_flags: <defaults>
</compile_context>

<pallas_src>
import dataclasses
import functools

import jax
import jax.numpy as jnp
from jax import lax
from jax.experimental import pallas as pl
from jax.experimental.pallas import tpu as pltpu
from jax.experimental.pallas import tpu_sc as plsc

NUM_NODES = 100000
NUM_EDGES = 6400000
NUM_ELEM = 10
NW = 32
LANES = 16
NODES_PAD = 100352
NODES_PER_TILE = NODES_PAD // NW
EDGES_PER_TILE = NUM_EDGES // NW
CHUNK = 2000
N_CHUNKS = EDGES_PER_TILE // CHUNK

A_C = 1.0805
Q_C = 0.9183
P_C = 4.5791
QMP_C = Q_C - P_C
LN2 = 0.6931471805599453
SQRT2 = 1.4142135623730951

_mesh = plsc.VectorSubcoreMesh(core_axis_name="c", subcore_axis_name="s")

_cp = pltpu.CompilerParams()
if "needs_layout_passes" in pltpu.CompilerParams.__dataclass_fields__:
    _cp = dataclasses.replace(_cp, needs_layout_passes=False)


def _wid():
    return lax.axis_index("c") * 16 + lax.axis_index("s")


@functools.partial(
    pl.kernel,
    out_type=jax.ShapeDtypeStruct((NODES_PAD,), jnp.float32),
    mesh=_mesh,
    scratch_types=[
        pltpu.VMEM((NODES_PER_TILE * NUM_ELEM,), jnp.float32),
        pltpu.VMEM((LANES,), jnp.int32),
        pltpu.VMEM((128,), jnp.float32),
        pltpu.VMEM((NODES_PER_TILE,), jnp.float32),
    ],
    compiler_params=_cp,
)
def _node_kernel(attrs_hbm, anum_hbm, radii_hbm, rnode_hbm,
                 attrs_v, anum_v, radii_v, rnode_v):
    wid = _wid()
    base = wid * NODES_PER_TILE
    pltpu.sync_copy(attrs_hbm.at[pl.ds(base * NUM_ELEM, NODES_PER_TILE * NUM_ELEM)],
                    attrs_v)
    pltpu.sync_copy(anum_hbm, anum_v)
    pltpu.sync_copy(radii_hbm, radii_v)
    lanes = jnp.arange(LANES, dtype=jnp.int32)

    @pl.loop(0, NODES_PER_TILE, step=LANES)
    def _(g):
        idx0 = (g + lanes) * NUM_ELEM
        best = plsc.load_gather(attrs_v, [idx0])
        bidx = jnp.zeros((LANES,), jnp.int32)
        for j in range(1, NUM_ELEM):
            vj = plsc.load_gather(attrs_v, [idx0 + j])
            gt = vj > best
            best = jnp.where(gt, vj, best)
            bidx = jnp.where(gt, j, bidx)
        an = plsc.load_gather(anum_v, [bidx])
        r = plsc.load_gather(radii_v, [an])
        rnode_v[pl.ds(g, LANES)] = r

    pltpu.sync_copy(rnode_v, rnode_hbm.at[pl.ds(base, NODES_PER_TILE)])


@functools.partial(
    pl.kernel,
    out_type=jax.ShapeDtypeStruct((NUM_EDGES,), jnp.float32),
    mesh=_mesh,
    scratch_types=[
        pltpu.VMEM((NODES_PAD,), jnp.float32),
        pltpu.VMEM((CHUNK,), jnp.int32),
        pltpu.VMEM((CHUNK,), jnp.int32),
        pltpu.VMEM((CHUNK,), jnp.float32),
        pltpu.VMEM((CHUNK,), jnp.float32),
    ],
    compiler_params=_cp,
)
def _edge_kernel(rnode_hbm, s_hbm, r_hbm, x_hbm, out_hbm,
                 table_v, si_v, ri_v, x_v, o_v):
    wid = _wid()
    pltpu.sync_copy(rnode_hbm, table_v)
    ebase = wid * EDGES_PER_TILE

    @pl.loop(0, N_CHUNKS)
    def _(c):
        off = ebase + c * CHUNK
        pltpu.sync_copy(s_hbm.at[pl.ds(off, CHUNK)], si_v)
        pltpu.sync_copy(r_hbm.at[pl.ds(off, CHUNK)], ri_v)
        pltpu.sync_copy(x_hbm.at[pl.ds(off, CHUNK)], x_v)

        @pl.loop(0, CHUNK, step=LANES)
        def _(i):
            rs = plsc.load_gather(table_v, [si_v[pl.ds(i, LANES)]])
            rr = plsc.load_gather(table_v, [ri_v[pl.ds(i, LANES)]])
            xv = x_v[pl.ds(i, LANES)]
            t = xv / (0.5 * (rs + rr))
            bits = lax.bitcast_convert_type(t, jnp.int32)
            e = lax.shift_right_logical(bits, 23) - 127
            m = lax.bitcast_convert_type(
                (bits & 0x007FFFFF) | 0x3F800000, jnp.float32)
            big = m > SQRT2
            m = jnp.where(big, m * 0.5, m)
            e = e + jnp.where(big, 1, 0)
            z = (m - 1.0) / (m + 1.0)
            z2 = z * z
            lnm = 2.0 * z * (1.0 + z2 * (1.0 / 3.0 + z2 * (
                1.0 / 5.0 + z2 * (1.0 / 7.0 + z2 * (1.0 / 9.0)))))
            ln_t = e.astype(jnp.float32) * LN2 + lnm
            num = jnp.exp(Q_C * ln_t)
            den = jnp.exp(QMP_C * ln_t)
            o_v[pl.ds(i, LANES)] = (1.0 + den) / (1.0 + den + A_C * num)

        pltpu.sync_copy(o_v, out_hbm.at[pl.ds(off, CHUNK)])


def kernel(x, node_attrs, edge_index, atomic_numbers, covalent_radii):
    xf = x.reshape(-1)
    sender = edge_index[0]
    receiver = edge_index[1]
    attrs_flat = jnp.pad(
        node_attrs, ((0, NODES_PAD - NUM_NODES), (0, 0))).reshape(-1)
    anum_pad = jnp.pad(atomic_numbers, (0, LANES - NUM_ELEM))
    radii_pad = jnp.pad(covalent_radii, (0, 128 - covalent_radii.shape[0]))
    rnode = _node_kernel(attrs_flat, anum_pad, radii_pad)
    out = _edge_kernel(rnode, sender, receiver, xf)
    return out.reshape(NUM_EDGES, 1)

# --- scband reference (transcript-rebuilt; emitter-appended) ---
"""Pipeline reference for scband-agnesi-transform-28939489641138 (READ-ONLY COPY).

The authoritative reference and input builder live on the scoring server;
editing this copy changes nothing except your own understanding.
"""

import jax, jax.numpy as jnp
import numpy as np

N_NODES = 100000
N_EDGES = 6400000
N_ELEM = 10


def _covalent_radii():
    # ase.data.covalent_radii (Cordero 2008), missing entries = 0.2, length 119
    r = [0.2, 0.31, 0.28, 1.28, 0.96, 0.84, 0.76, 0.71, 0.66, 0.57, 0.58,
         1.66, 1.41, 1.21, 1.11, 1.07, 1.05, 1.02, 1.06,
         2.03, 1.76, 1.70, 1.60, 1.53, 1.39, 1.39, 1.32, 1.26, 1.24, 1.32, 1.22,
         1.22, 1.20, 1.19, 1.20, 1.20, 1.16,
         2.20, 1.95, 1.90, 1.75, 1.64, 1.54, 1.47, 1.46, 1.42, 1.39, 1.45, 1.44,
         1.42, 1.39, 1.39, 1.38, 1.39, 1.40,
         2.44, 2.15, 2.07, 2.04, 2.03, 2.01, 1.99, 1.98, 1.98, 1.96, 1.94, 1.92,
         1.92, 1.89, 1.90, 1.87, 1.87,
         1.75, 1.70, 1.62, 1.51, 1.44, 1.41, 1.36, 1.36, 1.32,
         1.45, 1.46, 1.48, 1.40, 1.50, 1.50,
         2.60, 2.21, 2.15, 2.06, 2.00, 1.96, 1.90, 1.87, 1.80, 1.69]
    r = r + [0.2] * (119 - len(r))
    return jnp.asarray(np.array(r, dtype=np.float32))


def setup_inputs(seed: int = 0):
    key = jax.random.key(seed)
    k1, k2, k3, k4 = jax.random.split(key, 4)
    # per-edge interatomic distances (physical range ~0.5..6.0 Angstrom)
    x = jax.random.uniform(k1, (N_EDGES, 1), dtype=jnp.float32, minval=0.5, maxval=6.0)
    node_attrs = jax.random.uniform(k2, (N_NODES, N_ELEM), dtype=jnp.float32)
    edge_index = jax.random.randint(k3, (2, N_EDGES), 0, N_NODES, dtype=jnp.int32)
    atomic_numbers = jax.random.randint(k4, (N_ELEM,), 1, 84, dtype=jnp.int32)
    covalent_radii = _covalent_radii()  # fixed buffer from __init__
    return {"x": x, "node_attrs": node_attrs, "edge_index": edge_index,
            "atomic_numbers": atomic_numbers, "covalent_radii": covalent_radii}


def reference(x, node_attrs, edge_index, atomic_numbers, covalent_radii):
    sender = edge_index[0]
    receiver = edge_index[1]
    # node_attrs_index=None branch: argmax over one-hot node attributes
    node_attrs_index = jnp.argmax(node_attrs, axis=1)
    node_atomic_numbers = jnp.take(atomic_numbers,
                                   node_attrs_index.astype(jnp.int32).reshape(-1),
                                   axis=0)[..., None]
    Z_u = jnp.take(node_atomic_numbers, sender, axis=0).astype(jnp.int32)
    Z_v = jnp.take(node_atomic_numbers, receiver, axis=0).astype(jnp.int32)
    dtype = x.dtype
    a = jnp.array(1.0805, dtype=dtype)
    q = jnp.array(0.9183, dtype=dtype)
    p = jnp.array(4.5791, dtype=dtype)
    r_0 = 0.5 * (jnp.take(covalent_radii, Z_u, axis=0) + jnp.take(covalent_radii, Z_v, axis=0))
    r_over_r_0 = x / r_0
    numerator = a * jnp.power(r_over_r_0, q)
    denominator = 1.0 + jnp.power(r_over_r_0, q - p)
    return 1.0 / (1.0 + numerator / denominator)

if __name__ == "__main__":
    import jax
    _d = setup_inputs()
    print(jax.jit(kernel)(*tuple(_d.values())))

</pallas_src>

<mosaic_0001>
#map = affine_map<(d0, d1) -> (0)>
module attributes {stable_mosaic.version = 14 : i64} {
  func.func @_node_kernel(%arg0: i32, %arg1: i32, %arg2: memref<1003520xf32, #tpu.memory_space<hbm>>, %arg3: memref<16xi32, #tpu.memory_space<hbm>>, %arg4: memref<128xf32, #tpu.memory_space<hbm>>, %arg5: memref<100352xf32, #tpu.memory_space<hbm>>, %arg6: memref<31360xf32, #tpu.memory_space<vmem>>, %arg7: memref<16xi32, #tpu.memory_space<vmem>>, %arg8: memref<128xf32, #tpu.memory_space<vmem>>, %arg9: memref<3136xf32, #tpu.memory_space<vmem>>) attributes {dimension_semantics = [#tpu.dimension_semantics<core_parallel>, #tpu.dimension_semantics<subcore_parallel>], iteration_bounds = array<i64: 2, 16>, scalar_prefetch = 0 : i64, scratch_operands = 4 : i64, tpu.core_type = #tpu.core_type<sc_vector_subcore>, window_params = [{transform_indices = #map}, {transform_indices = #map}, {transform_indices = #map}, {transform_indices = #map}]} {
    %mul3A = arith.constant 16 : i32
    %mul3A_0 = arith.muli %arg0, %mul3A : i32
    %add3A = arith.addi %mul3A_0, %arg1 : i32
    %mul3A_1 = arith.constant 3136 : i32
    %mul3A_2 = arith.muli %add3A, %mul3A_1 : i32
    %mul3A_3 = arith.constant 10 : i32
    %mul3A_4 = arith.muli %mul3A_2, %mul3A_3 : i32
    "tpu.region"() ({
      %run_scoped3A = tpu.sem_alloc : memref<!tpu.dma_semaphore, #tpu.memory_space<semaphore_mem>>
      %dma_start3A = tpu.memref_slice %arg2[%mul3A_4] : memref<1003520xf32, #tpu.memory_space<hbm>> -> memref<31360xf32, #tpu.memory_space<hbm>>
      %dma_start3A_9 = tpu.memref_slice %arg2[%mul3A_4] : memref<1003520xf32, #tpu.memory_space<hbm>> -> memref<31360xf32, #tpu.memory_space<hbm>>
      tpu.enqueue_dma source(%dma_start3A_9 : memref<31360xf32, #tpu.memory_space<hbm>>) target(%arg6 : memref<31360xf32, #tpu.memory_space<vmem>>) target_semaphore(%run_scoped3A : memref<!tpu.dma_semaphore, #tpu.memory_space<semaphore_mem>>)
      %dma_wait3A = tpu.memref_slice %arg2[%mul3A_4] : memref<1003520xf32, #tpu.memory_space<hbm>> -> memref<31360xf32, #tpu.memory_space<hbm>>
      %dma_wait3A_10 = tpu.memref_slice %arg2[%mul3A_4] : memref<1003520xf32, #tpu.memory_space<hbm>> -> memref<31360xf32, #tpu.memory_space<hbm>>
      tpu.wait_dma2 semaphore(%run_scoped3A : memref<!tpu.dma_semaphore, #tpu.memory_space<semaphore_mem>>) src(%dma_wait3A_10 : memref<31360xf32, #tpu.memory_space<hbm>>) dst(%arg6 : memref<31360xf32, #tpu.memory_space<vmem>>)
      tpu.yield
    }) : () -> ()
    "tpu.region"() ({
      %run_scoped3A = tpu.sem_alloc : memref<!tpu.dma_semaphore, #tpu.memory_space<semaphore_mem>>
      tpu.enqueue_dma source(%arg3 : memref<16xi32, #tpu.memory_space<hbm>>) target(%arg7 : memref<16xi32, #tpu.memory_space<vmem>>) target_semaphore(%run_scoped3A : memref<!tpu.dma_semaphore, #tpu.memory_space<semaphore_mem>>)
      tpu.wait_dma2 semaphore(%run_scoped3A : memref<!tpu.dma_semaphore, #tpu.memory_space<semaphore_mem>>) src(%arg3 : memref<16xi32, #tpu.memory_space<hbm>>) dst(%arg7 : memref<16xi32, #tpu.memory_space<vmem>>)
      tpu.yield
    }) : () -> ()
    "tpu.region"() ({
      %run_scoped3A = tpu.sem_alloc : memref<!tpu.dma_semaphore, #tpu.memory_space<semaphore_mem>>
      tpu.enqueue_dma source(%arg4 : memref<128xf32, #tpu.memory_space<hbm>>) target(%arg8 : memref<128xf32, #tpu.memory_space<vmem>>) target_semaphore(%run_scoped3A : memref<!tpu.dma_semaphore, #tpu.memory_space<semaphore_mem>>)
      tpu.wait_dma2 semaphore(%run_scoped3A : memref<!tpu.dma_semaphore, #tpu.memory_space<semaphore_mem>>) src(%arg4 : memref<128xf32, #tpu.memory_space<hbm>>) dst(%arg8 : memref<128xf32, #tpu.memory_space<vmem>>)
      tpu.yield
    }) : () -> ()
    %iota3A = tpu.iota {dimensions = array<i32: 0>} : vector<16xi32>
    %scan3A = arith.constant 0 : i32
    %scan3A_5 = arith.constant 196 : i32
    %scan3A_6 = arith.addi %scan3A, %scan3A_5 : i32
    %scan3A_7 = arith.constant 1 : i32
    scf.for %scan3A_9 = %scan3A to %scan3A_6 step %scan3A_7  : i32 {
      %mul3A_10 = arith.constant 16 : i32
      %mul3A_11 = arith.muli %scan3A_9, %mul3A_10 : i32
      %add3A_12 = arith.constant 0 : i32
      %add3A_13 = arith.addi %add3A_12, %mul3A_11 : i32
      %add3A_14 = vector.broadcast %add3A_13 : i32 to vector<16xi32>
      %add3A_15 = arith.addi %add3A_14, %iota3A : vector<16xi32>
      %mul3A_16 = arith.constant 10 : i32
      %mul3A_17 = vector.broadcast %mul3A_16 : i32 to vector<16xi32>
      %mul3A_18 = arith.muli %add3A_15, %mul3A_17 : vector<16xi32>
      %gather3A = tpu.vector_load_idx %arg6[%mul3A_18] : memref<31360xf32, #tpu.memory_space<vmem>>[vector<16xi32>], vector<16xf32>,
      %broadcast_in_dim3A = arith.constant 0 : i32
      %broadcast_in_dim3A_19 = vector.broadcast %broadcast_in_dim3A : i32 to vector<16xi32>
      %add3A_20 = arith.constant 1 : i32
      %add3A_21 = vector.broadcast %add3A_20 : i32 to vector<16xi32>
      %add3A_22 = arith.addi %mul3A_18, %add3A_21 : vector<16xi32>
      %gather3A_23 = tpu.vector_load_idx %arg6[%add3A_22] : memref<31360xf32, #tpu.memory_space<vmem>>[vector<16xi32>], vector<16xf32>,
      %gt3A = arith.cmpf ogt, %gather3A_23, %gather3A : vector<16xf32>
      %select_n3A = arith.select %gt3A, %gather3A_23, %gather3A : vector<16xi1>, vector<16xf32>
      %jit3A = arith.constant 1 : i32
      %broadcast_in_dim3A_24 = vector.broadcast %jit3A : i32 to vector<16xi32>
      %select_n3A_25 = arith.select %gt3A, %broadcast_in_dim3A_24, %broadcast_in_dim3A_19 : vector<16xi1>, vector<16xi32>
      %add3A_26 = arith.constant 2 : i32
      %add3A_27 = vector.broadcast %add3A_26 : i32 to vector<16xi32>
      %add3A_28 = arith.addi %mul3A_18, %add3A_27 : vector<16xi32>
      %gather3A_29 = tpu.vector_load_idx %arg6[%add3A_28] : memref<31360xf32, #tpu.memory_space<vmem>>[vector<16xi32>], vector<16xf32>,
      %gt3A_30 = arith.cmpf ogt, %gather3A_29, %select_n3A : vector<16xf32>
      %select_n3A_31 = arith.select %gt3A_30, %gather3A_29, %select_n3A : vector<16xi1>, vector<16xf32>
      %jit3A_32 = arith.constant 2 : i32
      %broadcast_in_dim3A_33 = vector.broadcast %jit3A_32 : i32 to vector<16xi32>
      %select_n3A_34 = arith.select %gt3A_30, %broadcast_in_dim3A_33, %select_n3A_25 : vector<16xi1>, vector<16xi32>
      %add3A_35 = arith.constant 3 : i32
      %add3A_36 = vector.broadcast %add3A_35 : i32 to vector<16xi32>
      %add3A_37 = arith.addi %mul3A_18, %add3A_36 : vector<16xi32>
      %gather3A_38 = tpu.vector_load_idx %arg6[%add3A_37] : memref<31360xf32, #tpu.memory_space<vmem>>[vector<16xi32>], vector<16xf32>,
      %gt3A_39 = arith.cmpf ogt, %gather3A_38, %select_n3A_31 : vector<16xf32>
      %select_n3A_40 = arith.select %gt3A_39, %gather3A_38, %select_n3A_31 : vector<16xi1>, vector<16xf32>
      %jit3A_41 = arith.constant 3 : i32
      %broadcast_in_dim3A_42 = vector.broadcast %jit3A_41 : i32 to vector<16xi32>
      %select_n3A_43 = arith.select %gt3A_39, %broadcast_in_dim3A_42, %select_n3A_34 : vector<16xi1>, vector<16xi32>
      %add3A_44 = arith.constant 4 : i32
      %add3A_45 = vector.broadcast %add3A_44 : i32 to vector<16xi32>
      %add3A_46 = arith.addi %mul3A_18, %add3A_45 : vector<16xi32>
      %gather3A_47 = tpu.vector_load_idx %arg6[%add3A_46] : memref<31360xf32, #tpu.memory_space<vmem>>[vector<16xi32>], vector<16xf32>,
      %gt3A_48 = arith.cmpf ogt, %gather3A_47, %select_n3A_40 : vector<16xf32>
      %select_n3A_49 = arith.select %gt3A_48, %gather3A_47, %select_n3A_40 : vector<16xi1>, vector<16xf32>
      %jit3A_50 = arith.constant 4 : i32
      %broadcast_in_dim3A_51 = vector.broadcast %jit3A_50 : i32 to vector<16xi32>
      %select_n3A_52 = arith.select %gt3A_48, %broadcast_in_dim3A_51, %select_n3A_43 : vector<16xi1>, vector<16xi32>
      %add3A_53 = arith.constant 5 : i32
      %add3A_54 = vector.broadcast %add3A_53 : i32 to vector<16xi32>
      %add3A_55 = arith.addi %mul3A_18, %add3A_54 : vector<16xi32>
      %gather3A_56 = tpu.vector_load_idx %arg6[%add3A_55] : memref<31360xf32, #tpu.memory_space<vmem>>[vector<16xi32>], vector<16xf32>,
      %gt3A_57 = arith.cmpf ogt, %gather3A_56, %select_n3A_49 : vector<16xf32>
      %select_n3A_58 = arith.select %gt3A_57, %gather3A_56, %select_n3A_49 : vector<16xi1>, vector<16xf32>
      %jit3A_59 = arith.constant 5 : i32
      %broadcast_in_dim3A_60 = vector.broadcast %jit3A_59 : i32 to vector<16xi32>
      %select_n3A_61 = arith.select %gt3A_57, %broadcast_in_dim3A_60, %select_n3A_52 : vector<16xi1>, vector<16xi32>
      %add3A_62 = arith.constant 6 : i32
      %add3A_63 = vector.broadcast %add3A_62 : i32 to vector<16xi32>
      %add3A_64 = arith.addi %mul3A_18, %add3A_63 : vector<16xi32>
      %gather3A_65 = tpu.vector_load_idx %arg6[%add3A_64] : memref<31360xf32, #tpu.memory_space<vmem>>[vector<16xi32>], vector<16xf32>,
      %gt3A_66 = arith.cmpf ogt, %gather3A_65, %select_n3A_58 : vector<16xf32>
      %select_n3A_67 = arith.select %gt3A_66, %gather3A_65, %select_n3A_58 : vector<16xi1>, vector<16xf32>
      %jit3A_68 = arith.constant 6 : i32
      %broadcast_in_dim3A_69 = vector.broadcast %jit3A_68 : i32 to vector<16xi32>
      %select_n3A_70 = arith.select %gt3A_66, %broadcast_in_dim3A_69, %select_n3A_61 : vector<16xi1>, vector<16xi32>
      %add3A_71 = arith.constant 7 : i32
      %add3A_72 = vector.broadcast %add3A_71 : i32 to vector<16xi32>
      %add3A_73 = arith.addi %mul3A_18, %add3A_72 : vector<16xi32>
      %gather3A_74 = tpu.vector_load_idx %arg6[%add3A_73] : memref<31360xf32, #tpu.memory_space<vmem>>[vector<16xi32>], vector<16xf32>,
      %gt3A_75 = arith.cmpf ogt, %gather3A_74, %select_n3A_67 : vector<16xf32>
      %select_n3A_76 = arith.select %gt3A_75, %gather3A_74, %select_n3A_67 : vector<16xi1>, vector<16xf32>
      %jit3A_77 = arith.constant 7 : i32
      %broadcast_in_dim3A_78 = vector.broadcast %jit3A_77 : i32 to vector<16xi32>
      %select_n3A_79 = arith.select %gt3A_75, %broadcast_in_dim3A_78, %select_n3A_70 : vector<16xi1>, vector<16xi32>
      %add3A_80 = arith.constant 8 : i32
      %add3A_81 = vector.broadcast %add3A_80 : i32 to vector<16xi32>
      %add3A_82 = arith.addi %mul3A_18, %add3A_81 : vector<16xi32>
      %gather3A_83 = tpu.vector_load_idx %arg6[%add3A_82] : memref<31360xf32, #tpu.memory_space<vmem>>[vector<16xi32>], vector<16xf32>,
      %gt3A_84 = arith.cmpf ogt, %gather3A_83, %select_n3A_76 : vector<16xf32>
      %select_n3A_85 = arith.select %gt3A_84, %gather3A_83, %select_n3A_76 : vector<16xi1>, vector<16xf32>
      %jit3A_86 = arith.constant 8 : i32
      %broadcast_in_dim3A_87 = vector.broadcast %jit3A_86 : i32 to vector<16xi32>
      %select_n3A_88 = arith.select %gt3A_84, %broadcast_in_dim3A_87, %select_n3A_79 : vector<16xi1>, vector<16xi32>
      %add3A_89 = arith.constant 9 : i32
      %add3A_90 = vector.broadcast %add3A_89 : i32 to vector<16xi32>
      %add3A_91 = arith.addi %mul3A_18, %add3A_90 : vector<16xi32>
      %gather3A_92 = tpu.vector_load_idx %arg6[%add3A_91] : memref<31360xf32, #tpu.memory_space<vmem>>[vector<16xi32>], vector<16xf32>,
      %gt3A_93 = arith.cmpf ogt, %gather3A_92, %select_n3A_85 : vector<16xf32>
      %select_n3A_94 = arith.select %gt3A_93, %gather3A_92, %select_n3A_85 : vector<16xi1>, vector<16xf32>
      %jit3A_95 = arith.constant 9 : i32
      %broadcast_in_dim3A_96 = vector.broadcast %jit3A_95 : i32 to vector<16xi32>
      %select_n3A_97 = arith.select %gt3A_93, %broadcast_in_dim3A_96, %select_n3A_88 : vector<16xi1>, vector<16xi32>
      %gather3A_98 = tpu.vector_load_idx %arg7[%select_n3A_97] : memref<16xi32, #tpu.memory_space<vmem>>[vector<16xi32>], vector<16xi32>,
      %gather3A_99 = tpu.vector_load_idx %arg8[%gather3A_98] : memref<128xf32, #tpu.memory_space<vmem>>[vector<16xi32>], vector<16xf32>,
      %swap3A = arith.index_cast %add3A_13 : i32 to index
      %swap3A_100 = tpu.vector_load %arg9[%swap3A] {strides = array<i32>} : memref<3136xf32, #tpu.memory_space<vmem>>, vector<16xf32>,
      tpu.vector_store %arg9[%swap3A], %gather3A_99 {strides = array<i32>} : memref<3136xf32, #tpu.memory_space<vmem>>, vector<16xf32>,
    }
    %scan3A_8 = arith.constant 196 : i32
    "tpu.region"() ({
      %run_scoped3A = tpu.sem_alloc : memref<!tpu.dma_semaphore, #tpu.memory_space<semaphore_mem>>
      %dma_start3A = tpu.memref_slice %arg5[%mul3A_2] : memref<100352xf32, #tpu.memory_space<hbm>> -> memref<3136xf32, #tpu.memory_space<hbm>>
      %dma_start3A_9 = tpu.memref_slice %arg5[%mul3A_2] : memref<100352xf32, #tpu.memory_space<hbm>> -> memref<3136xf32, #tpu.memory_space<hbm>>
      tpu.enqueue_dma source(%arg9 : memref<3136xf32, #tpu.memory_space<vmem>>) target(%dma_start3A_9 : memref<3136xf32, #tpu.memory_space<hbm>>) target_semaphore(%run_scoped3A : memref<!tpu.dma_semaphore, #tpu.memory_space<semaphore_mem>>)
      %dma_wait3A = tpu.memref_slice %arg5[%mul3A_2] : memref<100352xf32, #tpu.memory_space<hbm>> -> memref<3136xf32, #tpu.memory_space<hbm>>
      %dma_wait3A_10 = tpu.memref_slice %arg5[%mul3A_2] : memref<100352xf32, #tpu.memory_space<hbm>> -> memref<3136xf32, #tpu.memory_space<hbm>>
      tpu.wait_dma2 semaphore(%run_scoped3A : memref<!tpu.dma_semaphore, #tpu.memory_space<semaphore_mem>>) src(%arg9 : memref<3136xf32, #tpu.memory_space<vmem>>) dst(%dma_wait3A_10 : memref<3136xf32, #tpu.memory_space<hbm>>)
      tpu.yield
    }) : () -> ()
    return
  }
}

#map = affine_map<(d0, d1) -> (0)>
module attributes {stable_mosaic.version = 14 : i64} {
  func.func @_edge_kernel(%arg0: i32, %arg1: i32, %arg2: memref<100352xf32, #tpu.memory_space<hbm>>, %arg3: memref<6400000xi32, #tpu.memory_space<hbm>>, %arg4: memref<6400000xi32, #tpu.memory_space<hbm>>, %arg5: memref<6400000xf32, #tpu.memory_space<hbm>>, %arg6: memref<6400000xf32, #tpu.memory_space<hbm>>, %arg7: memref<100352xf32, #tpu.memory_space<vmem>>, %arg8: memref<2000xi32, #tpu.memory_space<vmem>>, %arg9: memref<2000xi32, #tpu.memory_space<vmem>>, %arg10: memref<2000xf32, #tpu.memory_space<vmem>>, %arg11: memref<2000xf32, #tpu.memory_space<vmem>>) attributes {dimension_semantics = [#tpu.dimension_semantics<core_parallel>, #tpu.dimension_semantics<subcore_parallel>], iteration_bounds = array<i64: 2, 16>, scalar_prefetch = 0 : i64, scratch_operands = 5 : i64, tpu.core_type = #tpu.core_type<sc_vector_subcore>, window_params = [{transform_indices = #map}, {transform_indices = #map}, {transform_indices = #map}, {transform_indices = #map}, {transform_indices = #map}]} {
    %mul3A = arith.constant 16 : i32
    %mul3A_0 = arith.muli %arg0, %mul3A : i32
    %add3A = arith.addi %mul3A_0, %arg1 : i32
    "tpu.region"() ({
      %run_scoped3A = tpu.sem_alloc : memref<!tpu.dma_semaphore, #tpu.memory_space<semaphore_mem>>
      tpu.enqueue_dma source(%arg2 : memref<100352xf32, #tpu.memory_space<hbm>>) target(%arg7 : memref<100352xf32, #tpu.memory_space<vmem>>) target_semaphore(%run_scoped3A : memref<!tpu.dma_semaphore, #tpu.memory_space<semaphore_mem>>)
      tpu.wait_dma2 semaphore(%run_scoped3A : memref<!tpu.dma_semaphore, #tpu.memory_space<semaphore_mem>>) src(%arg2 : memref<100352xf32, #tpu.memory_space<hbm>>) dst(%arg7 : memref<100352xf32, #tpu.memory_space<vmem>>)
      tpu.yield
    }) : () -> ()
    %mul3A_1 = arith.constant 200000 : i32
    %mul3A_2 = arith.muli %add3A, %mul3A_1 : i32
    %scan3A = arith.constant 0 : i32
    %scan3A_3 = arith.constant 100 : i32
    %scan3A_4 = arith.addi %scan3A, %scan3A_3 : i32
    %scan3A_5 = arith.constant 1 : i32
    scf.for %scan3A_7 = %scan3A to %scan3A_4 step %scan3A_5  : i32 {
      %mul3A_8 = arith.constant 1 : i32
      %mul3A_9 = arith.muli %scan3A_7, %mul3A_8 : i32
      %add3A_10 = arith.constant 0 : i32
      %add3A_11 = arith.addi %add3A_10, %mul3A_9 : i32
      %mul3A_12 = arith.constant 2000 : i32
      %mul3A_13 = arith.muli %add3A_11, %mul3A_12 : i32
      %add3A_14 = arith.addi %mul3A_2, %mul3A_13 : i32
      "tpu.region"() ({
        %run_scoped3A = tpu.sem_alloc : memref<!tpu.dma_semaphore, #tpu.memory_space<semaphore_mem>>
        %dma_start3A = tpu.memref_slice %arg3[%add3A_14] : memref<6400000xi32, #tpu.memory_space<hbm>> -> memref<2000xi32, #tpu.memory_space<hbm>>
        %dma_start3A_20 = tpu.memref_slice %arg3[%add3A_14] : memref<6400000xi32, #tpu.memory_space<hbm>> -> memref<2000xi32, #tpu.memory_space<hbm>>
        tpu.enqueue_dma source(%dma_start3A_20 : memref<2000xi32, #tpu.memory_space<hbm>>) target(%arg8 : memref<2000xi32, #tpu.memory_space<vmem>>) target_semaphore(%run_scoped3A : memref<!tpu.dma_semaphore, #tpu.memory_space<semaphore_mem>>)
        %dma_wait3A = tpu.memref_slice %arg3[%add3A_14] : memref<6400000xi32, #tpu.memory_space<hbm>> -> memref<2000xi32, #tpu.memory_space<hbm>>
        %dma_wait3A_21 = tpu.memref_slice %arg3[%add3A_14] : memref<6400000xi32, #tpu.memory_space<hbm>> -> memref<2000xi32, #tpu.memory_space<hbm>>
        tpu.wait_dma2 semaphore(%run_scoped3A : memref<!tpu.dma_semaphore, #tpu.memory_space<semaphore_mem>>) src(%dma_wait3A_21 : memref<2000xi32, #tpu.memory_space<hbm>>) dst(%arg8 : memref<2000xi32, #tpu.memory_space<vmem>>)
        tpu.yield
      }) : () -> ()
      "tpu.region"() ({
        %run_scoped3A = tpu.sem_alloc : memref<!tpu.dma_semaphore, #tpu.memory_space<semaphore_mem>>
        %dma_start3A = tpu.memref_slice %arg4[%add3A_14] : memref<6400000xi32, #tpu.memory_space<hbm>> -> memref<2000xi32, #tpu.memory_space<hbm>>
        %dma_start3A_20 = tpu.memref_slice %arg4[%add3A_14] : memref<6400000xi32, #tpu.memory_space<hbm>> -> memref<2000xi32, #tpu.memory_space<hbm>>
        tpu.enqueue_dma source(%dma_start3A_20 : memref<2000xi32, #tpu.memory_space<hbm>>) target(%arg9 : memref<2000xi32, #tpu.memory_space<vmem>>) target_semaphore(%run_scoped3A : memref<!tpu.dma_semaphore, #tpu.memory_space<semaphore_mem>>)
        %dma_wait3A = tpu.memref_slice %arg4[%add3A_14] : memref<6400000xi32, #tpu.memory_space<hbm>> -> memref<2000xi32, #tpu.memory_space<hbm>>
        %dma_wait3A_21 = tpu.memref_slice %arg4[%add3A_14] : memref<6400000xi32, #tpu.memory_space<hbm>> -> memref<2000xi32, #tpu.memory_space<hbm>>
        tpu.wait_dma2 semaphore(%run_scoped3A : memref<!tpu.dma_semaphore, #tpu.memory_space<semaphore_mem>>) src(%dma_wait3A_21 : memref<2000xi32, #tpu.memory_space<hbm>>) dst(%arg9 : memref<2000xi32, #tpu.memory_space<vmem>>)
        tpu.yield
      }) : () -> ()
      "tpu.region"() ({
        %run_scoped3A = tpu.sem_alloc : memref<!tpu.dma_semaphore, #tpu.memory_space<semaphore_mem>>
        %dma_start3A = tpu.memref_slice %arg5[%add3A_14] : memref<6400000xf32, #tpu.memory_space<hbm>> -> memref<2000xf32, #tpu.memory_space<hbm>>
        %dma_start3A_20 = tpu.memref_slice %arg5[%add3A_14] : memref<6400000xf32, #tpu.memory_space<hbm>> -> memref<2000xf32, #tpu.memory_space<hbm>>
        tpu.enqueue_dma source(%dma_start3A_20 : memref<2000xf32, #tpu.memory_space<hbm>>) target(%arg10 : memref<2000xf32, #tpu.memory_space<vmem>>) target_semaphore(%run_scoped3A : memref<!tpu.dma_semaphore, #tpu.memory_space<semaphore_mem>>)
        %dma_wait3A = tpu.memref_slice %arg5[%add3A_14] : memref<6400000xf32, #tpu.memory_space<hbm>> -> memref<2000xf32, #tpu.memory_space<hbm>>
        %dma_wait3A_21 = tpu.memref_slice %arg5[%add3A_14] : memref<6400000xf32, #tpu.memory_space<hbm>> -> memref<2000xf32, #tpu.memory_space<hbm>>
        tpu.wait_dma2 semaphore(%run_scoped3A : memref<!tpu.dma_semaphore, #tpu.memory_space<semaphore_mem>>) src(%dma_wait3A_21 : memref<2000xf32, #tpu.memory_space<hbm>>) dst(%arg10 : memref<2000xf32, #tpu.memory_space<vmem>>)
        tpu.yield
      }) : () -> ()
      %scan3A_15 = arith.constant 0 : i32
      %scan3A_16 = arith.constant 125 : i32
      %scan3A_17 = arith.addi %scan3A_15, %scan3A_16 : i32
      %scan3A_18 = arith.constant 1 : i32
      scf.for %scan3A_20 = %scan3A_15 to %scan3A_17 step %scan3A_18  : i32 {
        %mul3A_21 = arith.constant 16 : i32
        %mul3A_22 = arith.muli %scan3A_20, %mul3A_21 : i32
        %add3A_23 = arith.constant 0 : i32
        %add3A_24 = arith.addi %add3A_23, %mul3A_22 : i32
        %get3A = arith.index_cast %add3A_24 : i32 to index
        %get3A_25 = tpu.vector_load %arg8[%get3A] {strides = array<i32>} : memref<2000xi32, #tpu.memory_space<vmem>>, vector<16xi32>,
        %gather3A = tpu.vector_load_idx %arg7[%get3A_25] : memref<100352xf32, #tpu.memory_space<vmem>>[vector<16xi32>], vector<16xf32>,
        %get3A_26 = arith.index_cast %add3A_24 : i32 to index
        %get3A_27 = tpu.vector_load %arg9[%get3A_26] {strides = array<i32>} : memref<2000xi32, #tpu.memory_space<vmem>>, vector<16xi32>,
        %gather3A_28 = tpu.vector_load_idx %arg7[%get3A_27] : memref<100352xf32, #tpu.memory_space<vmem>>[vector<16xi32>], vector<16xf32>,
        %get3A_29 = arith.index_cast %add3A_24 : i32 to index
        %get3A_30 = tpu.vector_load %arg10[%get3A_29] {strides = array<i32>} : memref<2000xf32, #tpu.memory_space<vmem>>, vector<16xf32>,
        %add3A_31 = arith.addf %gather3A, %gather3A_28 : vector<16xf32>
        %mul3A_32 = arith.constant 5.000000e-01 : f32
        %mul3A_33 = vector.broadcast %mul3A_32 : f32 to vector<16xf32>
        %mul3A_34 = arith.mulf %mul3A_33, %add3A_31 : vector<16xf32>
        %div3A = arith.divf %get3A_30, %mul3A_34 : vector<16xf32>
        %bitcast_convert_type3A = tpu.bitcast %div3A : vector<16xf32> -> vector<16xi32>
        %shift_right_logical3A = arith.constant 23 : i32
        %shift_right_logical3A_35 = vector.broadcast %shift_right_logical3A : i32 to vector<16xi32>
        %shift_right_logical3A_36 = arith.shrui %bitcast_convert_type3A, %shift_right_logical3A_35 : vector<16xi32>
        %sub3A = arith.constant 127 : i32
        %sub3A_37 = vector.broadcast %sub3A : i32 to vector<16xi32>
        %sub3A_38 = arith.subi %shift_right_logical3A_36, %sub3A_37 : vector<16xi32>
        %and3A = arith.constant 8388607 : i32
        %and3A_39 = vector.broadcast %and3A : i32 to vector<16xi32>
        %and3A_40 = arith.andi %bitcast_convert_type3A, %and3A_39 : vector<16xi32>
        %or3A = arith.constant 1065353216 : i32
        %or3A_41 = vector.broadcast %or3A : i32 to vector<16xi32>
        %or3A_42 = arith.ori %and3A_40, %or3A_41 : vector<16xi32>
        %bitcast_convert_type3A_43 = tpu.bitcast %or3A_42 : vector<16xi32> -> vector<16xf32>
        %gt3A = arith.constant 1.41421354 : f32
        %gt3A_44 = vector.broadcast %gt3A : f32 to vector<16xf32>
        %gt3A_45 = arith.cmpf ogt, %bitcast_convert_type3A_43, %gt3A_44 : vector<16xf32>
        %mul3A_46 = arith.constant 5.000000e-01 : f32
        %mul3A_47 = vector.broadcast %mul3A_46 : f32 to vector<16xf32>
        %mul3A_48 = arith.mulf %bitcast_convert_type3A_43, %mul3A_47 : vector<16xf32>
        %select_n3A = arith.select %gt3A_45, %mul3A_48, %bitcast_convert_type3A_43 : vector<16xi1>, vector<16xf32>
        %jit3A = arith.constant 1 : i32
        %jit3A_49 = arith.constant 0 : i32
        %broadcast_in_dim3A = vector.broadcast %jit3A : i32 to vector<16xi32>
        %broadcast_in_dim3A_50 = vector.broadcast %jit3A_49 : i32 to vector<16xi32>
        %select_n3A_51 = arith.select %gt3A_45, %broadcast_in_dim3A, %broadcast_in_dim3A_50 : vector<16xi1>, vector<16xi32>
        %add3A_52 = arith.addi %sub3A_38, %select_n3A_51 : vector<16xi32>
        %sub3A_53 = arith.constant 1.000000e+00 : f32
        %sub3A_54 = vector.broadcast %sub3A_53 : f32 to vector<16xf32>
        %sub3A_55 = arith.subf %select_n3A, %sub3A_54 : vector<16xf32>
        %add3A_56 = arith.constant 1.000000e+00 : f32
        %add3A_57 = vector.broadcast %add3A_56 : f32 to vector<16xf32>
        %add3A_58 = arith.addf %select_n3A, %add3A_57 : vector<16xf32>
        %div3A_59 = arith.divf %sub3A_55, %add3A_58 : vector<16xf32>
        %mul3A_60 = arith.mulf %div3A_59, %div3A_59 : vector<16xf32>
        %mul3A_61 = arith.constant 2.000000e+00 : f32
        %mul3A_62 = vector.broadcast %mul3A_61 : f32 to vector<16xf32>
        %mul3A_63 = arith.mulf %mul3A_62, %div3A_59 : vector<16xf32>
        %mul3A_64 = arith.constant 0.111111112 : f32
        %mul3A_65 = vector.broadcast %mul3A_64 : f32 to vector<16xf32>
        %mul3A_66 = arith.mulf %mul3A_60, %mul3A_65 : vector<16xf32>
        %add3A_67 = arith.constant 0.142857149 : f32
        %add3A_68 = vector.broadcast %add3A_67 : f32 to vector<16xf32>
        %add3A_69 = arith.addf %add3A_68, %mul3A_66 : vector<16xf32>
        %mul3A_70 = arith.mulf %mul3A_60, %add3A_69 : vector<16xf32>
        %add3A_71 = arith.constant 2.000000e-01 : f32
        %add3A_72 = vector.broadcast %add3A_71 : f32 to vector<16xf32>
        %add3A_73 = arith.addf %add3A_72, %mul3A_70 : vector<16xf32>
        %mul3A_74 = arith.mulf %mul3A_60, %add3A_73 : vector<16xf32>
        %add3A_75 = arith.constant 0.333333343 : f32
        %add3A_76 = vector.broadcast %add3A_75 : f32 to vector<16xf32>
        %add3A_77 = arith.addf %add3A_76, %mul3A_74 : vector<16xf32>
        %mul3A_78 = arith.mulf %mul3A_60, %add3A_77 : vector<16xf32>
        %add3A_79 = arith.constant 1.000000e+00 : f32
        %add3A_80 = vector.broadcast %add3A_79 : f32 to vector<16xf32>
        %add3A_81 = arith.addf %add3A_80, %mul3A_78 : vector<16xf32>
        %mul3A_82 = arith.mulf %mul3A_63, %add3A_81 : vector<16xf32>
        %convert_element_type3A = arith.sitofp %add3A_52 : vector<16xi32> to vector<16xf32>
        %mul3A_83 = arith.constant 0.693147182 : f32
        %mul3A_84 = vector.broadcast %mul3A_83 : f32 to vector<16xf32>
        %mul3A_85 = arith.mulf %convert_element_type3A, %mul3A_84 : vector<16xf32>
        %add3A_86 = arith.addf %mul3A_85, %mul3A_82 : vector<16xf32>
        %mul3A_87 = arith.constant 0.918299973 : f32
        %mul3A_88 = vector.broadcast %mul3A_87 : f32 to vector<16xf32>
        %mul3A_89 = arith.mulf %mul3A_88, %add3A_86 : vector<16xf32>
        %exp3A = math.exp %mul3A_89 : vector<16xf32>
        %mul3A_90 = arith.constant -3.660800e+00 : f32
        %mul3A_91 = vector.broadcast %mul3A_90 : f32 to vector<16xf32>
        %mul3A_92 = arith.mulf %mul3A_91, %add3A_86 : vector<16xf32>
        %exp3A_93 = math.exp %mul3A_92 : vector<16xf32>
        %add3A_94 = arith.constant 1.000000e+00 : f32
        %add3A_95 = vector.broadcast %add3A_94 : f32 to vector<16xf32>
        %add3A_96 = arith.addf %add3A_95, %exp3A_93 : vector<16xf32>
        %add3A_97 = arith.constant 1.000000e+00 : f32
        %add3A_98 = vector.broadcast %add3A_97 : f32 to vector<16xf32>
        %add3A_99 = arith.addf %add3A_98, %exp3A_93 : vector<16xf32>
        %mul3A_100 = arith.constant 1.080500e+00 : f32
        %mul3A_101 = vector.broadcast %mul3A_100 : f32 to vector<16xf32>
        %mul3A_102 = arith.mulf %mul3A_101, %exp3A : vector<16xf32>
        %add3A_103 = arith.addf %add3A_99, %mul3A_102 : vector<16xf32>
        %div3A_104 = arith.divf %add3A_96, %add3A_103 : vector<16xf32>
        %swap3A = arith.index_cast %add3A_24 : i32 to index
        %swap3A_105 = tpu.vector_load %arg11[%swap3A] {strides = array<i32>} : memref<2000xf32, #tpu.memory_space<vmem>>, vector<16xf32>,
        tpu.vector_store %arg11[%swap3A], %div3A_104 {strides = array<i32>} : memref<2000xf32, #tpu.memory_space<vmem>>, vector<16xf32>,
      }
      %scan3A_19 = arith.constant 125 : i32
      "tpu.region"() ({
        %run_scoped3A = tpu.sem_alloc : memref<!tpu.dma_semaphore, #tpu.memory_space<semaphore_mem>>
        %dma_start3A = tpu.memref_slice %arg6[%add3A_14] : memref<6400000xf32, #tpu.memory_space<hbm>> -> memref<2000xf32, #tpu.memory_space<hbm>>
        %dma_start3A_20 = tpu.memref_slice %arg6[%add3A_14] : memref<6400000xf32, #tpu.memory_space<hbm>> -> memref<2000xf32, #tpu.memory_space<hbm>>
        tpu.enqueue_dma source(%arg11 : memref<2000xf32, #tpu.memory_space<vmem>>) target(%dma_start3A_20 : memref<2000xf32, #tpu.memory_space<hbm>>) target_semaphore(%run_scoped3A : memref<!tpu.dma_semaphore, #tpu.memory_space<semaphore_mem>>)
        %dma_wait3A = tpu.memref_slice %arg6[%add3A_14] : memref<6400000xf32, #tpu.memory_space<hbm>> -> memref<2000xf32, #tpu.memory_space<hbm>>
        %dma_wait3A_21 = tpu.memref_slice %arg6[%add3A_14] : memref<6400000xf32, #tpu.memory_space<hbm>> -> memref<2000xf32, #tpu.memory_space<hbm>>
        tpu.wait_dma2 semaphore(%run_scoped3A : memref<!tpu.dma_semaphore, #tpu.memory_space<semaphore_mem>>) src(%arg11 : memref<2000xf32, #tpu.memory_space<vmem>>) dst(%dma_wait3A_21 : memref<2000xf32, #tpu.memory_space<hbm>>)
        tpu.yield
      }) : () -> ()
    }
    %scan3A_6 = arith.constant 100 : i32
    return
  }
}

</mosaic_0001>

<sc_bundles>
// kernel: kernel.4.cloned.1.call-start
scs
__scs_entry_jumppad:
0x0: {  	(pc) =	sbr.rel $0x88, $3  }
0x1: {  	(tag) =	ssettag $0x0;
	lr =	simm.s32 $0x1  }
0x2: {  	[smem:$0x3F9C] =	sst lr;
	_ =	strace $0xD0000000  }
0x3: {  	_ = 	snop  }
0x4: {  	_ = 	snop  }
0x5: {  	_ = 	snop  }
0x6: {  	_ = 	snop  }
0x7: {  	_ = 	snop  }
__scs_overlays_trampoline_lowered:
0x8: {  	[smem:$0x3FAB] =	sst s0  }
0x9: {  	[smem:$0x3FAC] =	sst s1  }
0xa: {  	[smem:$0x3FAD] =	sst s2  }
0xb: {  	[smem:$0x3FAE] =	sst s3  }
0xc: {  	[smem:$0x3FAF] =	sst s4  }
0xd: {  	[smem:$0x3FB0] =	sst s5  }
0xe: {  	[smem:$0x3FB1] =	sst s6  }
0xf: {  	[smem:$0x3FB2] =	sst s7  }
0x10: {  	[smem:$0x3FB3] =	sst s8  }
0x11: {  	[smem:$0x3FB4] =	sst s9;
	s0 =	simm.s32 @!p0 $0x0  }
0x12: {  	s1 =	sld [smem:$0x3F9A];
	s0 =	simm.s32 @p0 $0x1  }
0x13: {  	[smem:$0x3FB5] =	sst s0;
	s0 =	simm.s32 @!p1 $0x0  }
0x14: {  	s2 =	sld [smem:$0x3F99];
	s0 =	simm.s32 @p1 $0x1  }
0x15: {  	[smem:$0x3FB6] =	sst s0;
	s0 =	simm.s32 @!p2 $0x0  }
0x16: {  	s3 =	sld [smem:$0x3FDB];
	s0 =	simm.s32 @p2 $0x1  }
0x17: {  	s4 =	simm.s32 $0x1BF5;
	[smem:$0x3FB8] =	sst s0  }
0x18: {  	s0 =	sld [smem:$0x3F9B];
	_ =	swait.ge [sflag:s4], $0x0  }
0x19: {  	s7 =	sld [smem:$0x3F9C]  }
0x1a: {  	s8 =	sadd.s32 $0xFFFFE003, lr  }
0x1b: {  	s9 =	sadd.s32 $0xFFFFFEF7, lr;
	s5 =	simm.s32 $0xFFFFFFFF;
	p2 =	slt.u32 s8, $0xFFFFF086  }
0x1c: {  	p1 =	slt.u32 s9, $0xF7A;
	s5 =	simm.s32 @!p2 $0x0  }
0x1d: {  	s5 =	simm.s32 @p1 $0x1;
	p0 =	seq.s32 s7, s2  }
0x1e: {  	s7 =	smul.u32 @!p0 $0xF7A, s2;
	p2 =	seq.s32 @!p0 s5, $0x0  }
0x1f: {  	s9 =	smul.u32 $0xF7A, s1;
	s8 =	simm.s32 @!p0 $0x1BF5;
	p2 =	por !p2, p0  }
0x20: {  	[sflag:s8] =	ssyncset.s32 @!p0 $0xFFFFF086;
	s6 =	sadd.s32 @!p0 s3, s7;
	s7 =	simm.s32 @!p0 $0x108  }
0x21: {  	s3 =	sadd.s32 s3, s9;
	s6 =	sadd.s32 @!p0 $0x88, s6;
	s7 =	simm.s32 @p2 $0x1082  }
0x22: {  	[simem:s7], [sflag:s8] =	dma.local @!p0 [hbm:s6], $0xF7A  }
0x23: {  	s9 =	sor.u32 $0xD0000000, s2;
	s6 =	simm.s32 $0x108;
	_ =	swait.ge @!p0 [sflag:s8], $0x0  }
0x24: {  	s3 =	sadd.s32 $0x88, s3;
	s6 =	simm.s32 @!p1 $0x1082;
	[sflag:s4] =	ssyncset.s32 $0xFFFFF086  }
0x25: {  	[simem:s6], [sflag:s4] =	dma.local [hbm:s3], $0xF7A  }
0x26: {  	[smem:$0x3F9C] =	sst s1;
	(tag) =	ssettag s2;
	_ =	strace s9  }
0x27: {  	s1 =	sld [smem:$0x3FAC]  }
0x28: {  	s2 =	sld [smem:$0x3FAD]  }
0x29: {  	s4 =	sld [smem:$0x3FAF]  }
0x2a: {  	p0 =	seq.s32 s5, $0x0;
	s5 =	sld [smem:$0x3FB0]  }
0x2b: {  	s6 =	sld [smem:$0x3FB1]  }
0x2c: {  	s7 =	sld [smem:$0x3FB2]  }
0x2d: {  	s3 =	simm.s32 $0x108;
	s8 =	sld [smem:$0x3FB3]  }
0x2e: {  	s3 =	simm.s32 @!p0 $0x1082;
	s9 =	sld [smem:$0x3FB4]  }
0x2f: {  	lr =	sadd.s32 s0, s3;
	s0 =	sld [smem:$0x3FAB]  }
0x30: {  	s3 =	sld [smem:$0x3FAE]  }
0x31: {  	[smem:$0x3FB7] =	sst s10  }
0x32: {  	s10 =	sld [smem:$0x3FB5];
	_ =	sdelay $0x3  }
0x33: {  	p0 =	seq.s32 s10, $0x1;
	s10 =	sld [smem:$0x3FB7];
	_ =	sdelay $0x3  }
0x34: {  	[smem:$0x3FB7] =	sst s10  }
0x35: {  	s10 =	sld [smem:$0x3FB6];
	_ =	sdelay $0x3  }
0x36: {  	p1 =	seq.s32 s10, $0x1;
	s10 =	sld [smem:$0x3FB7];
	_ =	sdelay $0x3  }
0x37: {  	[smem:$0x3FB7] =	sst s10  }
0x38: {  	s10 =	sld [smem:$0x3FB8]  }
0x39: {  	_ = 	snop;
	(pc) =	sbr.ind lr, $3  }
0x3a: {  	_ = 	snop  }
0x3b: {  	_ = 	snop  }
0x3c: {  	p2 =	seq.s32 s10, $0x1;
	s10 =	sld [smem:$0x3FB7]  }
0x3d: {  	_ =	shalt  }
0x3e: {  	_ =	shalt  }
0x3f: {  	_ =	shalt  }
0x40: {  	_ =	shalt  }
0x41: {  	_ =	shalt  }
0x42: {  	_ =	shalt  }
0x43: {  	_ =	shalt  }
0x44: {  	_ =	shalt  }
0x45: {  	_ =	shalt  }
0x46: {  	_ =	shalt  }
0x47: {  	_ =	shalt  }
0x48: {  	_ =	shalt  }
0x49: {  	_ =	shalt  }
0x4a: {  	_ =	shalt  }
0x4b: {  	_ =	shalt  }
0x4c: {  	_ =	shalt  }
0x4d: {  	_ =	shalt  }
0x4e: {  	_ =	shalt  }
0x4f: {  	_ =	shalt  }
0x50: {  	_ =	shalt  }
0x51: {  	_ =	shalt  }
0x52: {  	_ =	shalt  }
0x53: {  	_ =	shalt  }
0x54: {  	_ =	shalt  }
0x55: {  	_ =	shalt  }
0x56: {  	_ =	shalt  }
0x57: {  	_ =	shalt  }
0x58: {  	_ =	shalt  }
0x59: {  	_ =	shalt  }
0x5a: {  	_ =	shalt  }
0x5b: {  	_ =	shalt  }
0x5c: {  	_ =	shalt  }
0x5d: {  	_ =	shalt  }
0x5e: {  	_ =	shalt  }
0x5f: {  	_ =	shalt  }
0x60: {  	_ =	shalt  }
0x61: {  	_ =	shalt  }
0x62: {  	_ =	shalt  }
0x63: {  	_ =	shalt  }
0x64: {  	_ =	shalt  }
0x65: {  	_ =	shalt  }
0x66: {  	_ =	shalt  }
0x67: {  	_ =	shalt  }
0x68: {  	_ =	shalt  }
0x69: {  	_ =	shalt  }
0x6a: {  	_ =	shalt  }
0x6b: {  	_ =	shalt  }
0x6c: {  	_ =	shalt  }
0x6d: {  	_ =	shalt  }
0x6e: {  	_ =	shalt  }
0x6f: {  	_ =	shalt  }
0x70: {  	_ =	shalt  }
0x71: {  	_ =	shalt  }
0x72: {  	_ =	shalt  }
0x73: {  	_ =	shalt  }
0x74: {  	_ =	shalt  }
0x75: {  	_ =	shalt  }
0x76: {  	_ =	shalt  }
0x77: {  	_ =	shalt  }
0x78: {  	_ =	shalt  }
0x79: {  	_ =	shalt  }
0x7a: {  	_ =	shalt  }
0x7b: {  	_ =	shalt  }
0x7c: {  	_ =	shalt  }
0x7d: {  	_ =	shalt  }
0x7e: {  	_ =	shalt  }
0x7f: {  	_ =	shalt  }
0x80: {  	_ =	shalt  }
0x81: {  	_ =	shalt  }
0x82: {  	_ =	shalt  }
0x83: {  	_ =	shalt  }
0x84: {  	_ =	shalt  }
0x85: {  	_ =	shalt  }
0x86: {  	_ =	shalt  }
0x87: {  	_ =	shalt  }
.Lfunc_end0:
.L_simem_size_0:
called_computation_lowered:
.L_overlay_start_0:
0x88: {  	s2 =	sld [smem:$0x3FD9]  }
0x89: {  	s3 =	sld [smem:$0x3FFE];
	_ =	sdelay $0x1  }
0x8a: {  	s1 =	srdreg.scid  }
0x8b: {  	s0 =	sand.u32 $0x1, s1  }
0x8c: {  	s17 =	sshll.u32 s0, $0xA;
	s2 =	sadd.s32 s3, s2  }
0x8d: {  	s2 =	sadd.s32 s2, s17  }
0x8e: {  	[smem:$0x3FC3] =	sst s2  }
0x8f: {  	_ = 	snop  }
0x90: {  	s2 =	sld [smem:$0x3FD0];
	(tm) =	ssettm $0x1  }
0x91: {  	s18 =	sld [smem:$0x3FFB];
	_ =	sdelay $0x3  }
0x92: {  	_ =	strace s18  }
0x93: {  	s3 =	sld [smem:$0x3FFC];
	_ =	sdelay $0x3  }
0x94: {  	_ =	strace s3  }
0x95: {  	s3 =	sld [smem:$0x3FFD];
	_ =	sdelay $0x3  }
0x96: {  	_ =	strace s3  }
0x97: {  	_ =	strace $0x8FFFFFFF  }
0x98: {  	s19 =	sld [smem:$0x3FDB];
	_ =	sdelay $0x1  }
0x99: {  	s4 =	simm.s32 $_scs_section_size  }
0x9a: {  	s5 =	simm.s32 $_size__tile_overlayer_lowered;
	s6 =	simm.s32 $_tile_overlayer_lowered  }
0x9b: {  	s22 =	simm.s32 $0x1BFF;
	s21 =	sshll.u32 s6, $0x1;
	s3 =	sadd.s32 s4, s19  }
0x9c: {  	s7 =	simm.s32 $0x0;
	s20 =	sshll.u32 s5, $0x1;
	s5 =	sadd.s32 s21, s3  }
0x9d: {  	[timem:s7], [sflag:s22] =	dma.local [hbm:s5], s20  }
0x9e: {  	_ =	swait.ge [sflag:s22], s20  }
0x9f: {  	s4 =	ssub.s32 $0x0, s20;
	[sflag:s22] =	ssyncset.done $0x0  }
0xa0: {  	[sflag:s22] =	ssyncadd.s32 s4;
	_ =	sdelay $0x1  }
0xa1: {  	s23 =	simm.s32 $0x1B8B  }
0xa2: {  	_ =	swait.ge [sflag:s23], $0x1  }
0xa3: {  	[sflag:s23] =	ssyncset.done $0x0  }
0xa4: {  	s25 =	simm.s32 $0x1B8E;
	s24 =	sld [smem:$0x3FFE];
	[sflag:s23] =	ssyncadd.s32 $0xFFFFFFFF  }
0xa5: {  	s26 =	simm.s32 $execute0_lowered;
	[smem:$0x3FD2] =	sst s25  }
0xa6: {  	s5 =	sshll.u32 s26, $0x1;
	_ =	strace $0x80000046;
	[dreg:$0x1] =	wrdreg $0xFFFFFFFF  }
0xa7: {  	s28 =	simm.s32 $_size_execute0_lowered;
	s3 =	sadd.s32 s3, s5;
	[dreg:$0x0] =	wrdreg $0x0  }
0xa8: {  	s5 =	sshll.u32 s28, $0x1;
	[dreg:$0x2] =	wrdreg s3  }
0xa9: {  	[dreg:$0x3] =	wrdreg s5  }
0xaa: {  	[dreg:$0x4] =	wrdreg $0xC0  }
0xab: {  	_ =	task [dreg:s7], $0x5FFFF  }
0xac: {  	[dreg:$0x1] =	wrdreg $0xFFFFFFFF  }
0xad: {  	[dreg:$0x0] =	wrdreg $0x60  }
0xae: {  	[dreg:$0x2] =	wrdreg s2  }
0xaf: {  	[dreg:$0x3] =	wrdreg s24  }
0xb0: {  	[dreg:$0x4] =	wrdreg $0x9  }
0xb1: {  	_ =	task.clear_ibuf [dreg:s7], $0x5FFFF;
	_ =	strace $0x90000046  }
0xb2: {  	s29 =	simm.s32 $0x9;
	_ =	strace $0x80000048  }
0xb3: {  	_ =	swait.ge [sflag:s29], $0x1  }
0xb4: {  	[sflag:s29] =	ssyncadd.s32 $0xFFFFFFFF  }
0xb5: {  	_ =	strace $0x90000048  }
0xb6: {  	_ =	sfence  }
0xb7: {  	s30 =	sld [smem:$0x0];
	_ =	sdelay $0x2  }
0xb8: {  	s31 =	sshll.u32 s1, $0xD;
	s1 =	sshrl.u32 s1, $0x2  }
0xb9: {  	s3 =	sand.u32 $0x4000, s31;
	s1 =	sadd.s32 s1, s30  }
0xba: {  	s0 =	sor.u32 s3, s0;
	s1 =	sshll.u32 s1, $0x11  }
0xbb: {  	s0 =	sor.u32 s1, s0  }
0xbc: {  	s0 =	sadd.s32 $0x8F2B, s0  }
0xbd: {  	[sflag:s0] =	ssyncadd.remote.s32 $0x1  }
0xbe: {  	_ =	sfence.sel $0xFFFF  }
0xbf: {  	[dreg:$0x0] =	wrdreg $0xFFFFFFFF;
	(pc) =	sbr.abs _section_cstart, $3  }
0xc0: {  	[dreg:$0x1] =	wrdreg $0xFFFFFFFF  }
0xc1: {  	_ =	task.clear_ibuf [dreg:s7], $0x2FFFF;
	_ =	strace $0x9FFFFFFF  }
0xc2: {  	(tm) =	ssettm $0x7FFFFFFF  }
0xc3: {  	_ =	shalt  }
tec
execute0_lowered:
.L_overlay_start_1:
0x0: {  	(tag) =	ssettag $0x1  }
0x1: {  	s5 =	rddreg [dreg:$0x0]  }
0x2: {  	s6 =	rddreg [dreg:$0x1];
	s1 =	srdreg.scid  }
0x3: {  	s0 =	rddreg [dreg:$0x2];
	s2 =	simm.s32 $0x0;
	s4 =	sand.u32 $0x1, s1  }
0x4: {  	s10 =	simm.s32 $0x7B00;
	s1 =	stileid.u32;
	s3 =	sshll.u32 s4, $0x4  }
0x5: {  	v0 =	vlaneseq.u32;
	s11 =	simm.s32 $0x7B80;
	[smem:$0x7FF] =	sst s2;
	s7 =	sor.u32 s1, s3  }
0x6: {  	s12 =	simm.s32 $0x0;
	v0 =	vmul.u32 $0xA, v0;
	_ =	strace $0x80000047;
	s8 =	smul.u32 $0x188, s7  }
0x7: {  	v2 =	vimm.s32 $0x0;
	s9 =	ssub.s32 $0x2, s4;
	s4 =	sadd.s32 $0xE00, s6;
	s7 =	smul.u32 $0xF50, s7  }
0x8: {  	s3 =	sadd.s32 $0x1000, s6;
	s31 =	sshrl.u32 s9, $0x1;
	v1 =	vor.u32 $0x1, v0;
	v3 =	vadd.s32 $0x2, v0;
	v4 =	vadd.s32 $0x3, v0;
	s6 =	sadd.s32 s8, s6  }
0x9: {  	v5 =	vadd.s32 $0x4, v0;
	v6 =	vadd.s32 $0x5, v0;
	v7 =	vadd.s32 $0x6, v0;
	s8 =	ssub.s32 s9, s31;
	s5 =	sadd.s32 s5, s7;
	s9 =	simm.s32 $0x7A80  }
0xa: {  	v8 =	vadd.s32 $0x7, v0;
	v9 =	vadd.s32 $0x8, v0;
	v10 =	vadd.s32 $0x9, v0;
	s6 =	sadd.s32 $0x1200, s6;
	s7 =	smax.u32 s8, $0x1;
	s8 =	simm.s32 $0x1  }
.LBB2_1:
0xb: {  	[tilespmem:s2], [sflag:$0x1] =	stream.linear.gather [hbm4b:s5+s2], $0x7A80, $0x38;
	[tilespmem:$0x8800] =	vst v63  }
0xc: {  	_ =	swait.ge [sflag:s8], $0x7A80  }
0xd: {  	v11 =	vmov s2;
	[sflag:s8] =	ssyncset.done $0x0  }
0xe: {  	v11 =	vmul.u32 $0xA, v11;
	[sflag:s8] =	ssyncadd.s32 $0xFFFF8580  }
0xf: {  	[tilespmem:s9], [sflag:$0x1] =	stream.linear.gather [hbm4b:s3+s2], $0x80, $0x38;
	[tilespmem:$0x8800] =	vst v63  }
0x10: {  	v11 =	vbroadcast v11, $0x0;
	_ =	swait.ge [sflag:s8], $0x80  }
0x11: {  	[sflag:s8] =	ssyncset.done $0x0  }
0x12: {  	v12 =	vadd.s32 v1, v11;
	[sflag:s8] =	ssyncadd.s32 $0xFFFFFF80  }
0x13: {  	v13 =	vadd.s32 v0, v11;
	[tilespmem:s10], [sflag:$0x1] =	stream.linear.gather [hbm4b:s4+s2], $0x80, $0x38;
	[tilespmem:$0x8800] =	vst v63  }
0x14: {  	_ =	swait.ge [sflag:s8], $0x80  }
0x15: {  	v14 =	vadd.s32 v3, v11;
	[sflag:s8] =	ssyncset.done $0x0  }
0x16: {  	[sflag:s8] =	ssyncadd.s32 $0xFFFFFF80  }
0x17: {  	v15 =	vadd.s32 v4, v11;
	v12 =	vld.idx.msk [tilespmem:v12+s2+$0x0], $0xffff  }
0x18: {  	v13 =	vld.idx.msk [tilespmem:v13+s2+$0x0], $0xffff  }
0x19: {  	v16 =	vadd.s32 v5, v11  }
0x1a: {  	v14 =	vld.idx.msk [tilespmem:v14+s2+$0x0], $0xffff  }
0x1b: {  	v17 =	vadd.s32 v6, v11  }
0x1c: {  	v15 =	vld.idx.msk [tilespmem:v15+s2+$0x0], $0xffff  }
0x1d: {  	v18 =	vadd.s32 v7, v11;
	vm0 =	vgt.f32 v12, v13  }
0x1e: {  	v16 =	vld.idx.msk [tilespmem:v16+s2+$0x0], $0xffff;
	v12 =	vsel vm0, v12, v13  }
0x1f: {  	v13 =	vadd.s32 v8, v11;
	vm1 =	vgt.f32 v14, v12  }
0x20: {  	v17 =	vld.idx.msk [tilespmem:v17+s2+$0x0], $0xffff;
	v12 =	vsel vm1, v14, v12  }
0x21: {  	v14 =	vadd.s32 v9, v11;
	vm2 =	vgt.f32 v15, v12  }
0x22: {  	v18 =	vld.idx.msk [tilespmem:v18+s2+$0x0], $0xffff;
	v12 =	vsel vm2, v15, v12  }
0x23: {  	v11 =	vadd.s32 v10, v11;
	vm3 =	vgt.f32 v16, v12  }
0x24: {  	v13 =	vld.idx.msk [tilespmem:v13+s2+$0x0], $0xffff;
	v12 =	vsel vm3, v16, v12  }
0x25: {  	vm4 =	vgt.f32 v17, v12  }
0x26: {  	v15 =	vsel vm0, $0x1, v2;
	v14 =	vld.idx.msk [tilespmem:v14+s2+$0x0], $0xffff;
	v12 =	vsel vm4, v17, v12  }
0x27: {  	v15 =	vsel vm1, $0x2, v15;
	vm11 =	vgt.f32 v18, v12  }
0x28: {  	v15 =	vsel vm2, $0x3, v15;
	v11 =	vld.idx.msk [tilespmem:v11+s2+$0x0], $0xffff;
	v12 =	vsel vm11, v18, v12  }
0x29: {  	v15 =	vsel vm3, $0x4, v15;
	vm12 =	vgt.f32 v13, v12  }
0x2a: {  	v15 =	vsel vm4, $0x5, v15;
	v12 =	vsel vm12, v13, v12  }
0x2b: {  	v13 =	vsel vm11, $0x6, v15;
	vm13 =	vgt.f32 v14, v12  }
0x2c: {  	v13 =	vsel vm12, $0x7, v13;
	v12 =	vsel vm13, v14, v12  }
0x2d: {  	v13 =	vsel vm13, $0x8, v13;
	vm14 =	vgt.f32 v11, v12  }
0x2e: {  	v11 =	vsel vm14, $0x9, v13;
	_ =	sdelay $0x4  }
0x2f: {  	v11 =	vld.idx.msk [tilespmem:v11+s9+$0x0], $0xffff;
	_ =	sdelay $0x2  }
0x30: {  	s13 =	simm.s32 $0x10  }
0x31: {  	v12 =	vmov s13  }
0x32: {  	v12 =	vmul.u32 $0xA, v12;
	_ =	sdelay $0x1  }
0x33: {  	v12 =	vbroadcast v12, $0x0  }
0x34: {  	v11 =	vld.idx.msk [tilespmem:v11+s10+$0x0], $0xffff  }
0x35: {  	v13 =	vadd.s32 v1, v12  }
0x36: {  	v14 =	vadd.s32 v0, v12;
	_ =	sdelay $0x1  }
0x37: {  	v15 =	vadd.s32 v3, v12  }
0x38: {  	[tilespmem:s11+$0x0] =	vst v11  }
0x39: {  	v11 =	vld.idx.msk [tilespmem:v13+s2+$0x0], $0xffff;
	v13 =	vadd.s32 v4, v12  }
0x3a: {  	v14 =	vld.idx.msk [tilespmem:v14+s2+$0x0], $0xffff  }
0x3b: {  	v61 =	vadd.s32 v5, v12  }
0x3c: {  	v15 =	vld.idx.msk [tilespmem:v15+s2+$0x0], $0xffff  }
0x3d: {  	v62 =	vadd.s32 v6, v12  }
0x3e: {  	v13 =	vld.idx.msk [tilespmem:v13+s2+$0x0], $0xffff  }
0x3f: {  	v63 =	vadd.s32 v7, v12;
	vm15 =	vgt.f32 v11, v14  }
0x40: {  	v16 =	vld.idx.msk [tilespmem:v61+s2+$0x0], $0xffff;
	v11 =	vsel vm15, v11, v14  }
0x41: {  	v14 =	vadd.s32 v8, v12;
	vm8 =	vgt.f32 v15, v11  }
0x42: {  	v17 =	vld.idx.msk [tilespmem:v62+s2+$0x0], $0xffff;
	v11 =	vsel vm8, v15, v11  }
0x43: {  	v15 =	vadd.s32 v9, v12;
	vm9 =	vgt.f32 v13, v11  }
0x44: {  	v18 =	vld.idx.msk [tilespmem:v63+s2+$0x0], $0xffff;
	v11 =	vsel vm9, v13, v11  }
0x45: {  	v12 =	vadd.s32 v10, v12;
	vm10 =	vgt.f32 v16, v11  }
0x46: {  	v13 =	vld.idx.msk [tilespmem:v14+s2+$0x0], $0xffff;
	v11 =	vsel vm10, v16, v11  }
0x47: {  	vm11 =	vgt.f32 v17, v11  }
0x48: {  	v14 =	vld.idx.msk [tilespmem:v15+s2+$0x0], $0xffff;
	v15 =	vsel vm15, $0x1, v2;
	v11 =	vsel vm11, v17, v11  }
0x49: {  	v15 =	vsel vm8, $0x2, v15;
	vm12 =	vgt.f32 v18, v11  }
0x4a: {  	v12 =	vld.idx.msk [tilespmem:v12+s2+$0x0], $0xffff;
	v15 =	vsel vm9, $0x3, v15;
	v11 =	vsel vm12, v18, v11  }
0x4b: {  	v15 =	vsel vm10, $0x4, v15;
	vm13 =	vgt.f32 v13, v11  }
0x4c: {  	v15 =	vsel vm11, $0x5, v15;
	v11 =	vsel vm13, v13, v11  }
0x4d: {  	v13 =	vsel vm12, $0x6, v15;
	vm14 =	vgt.f32 v14, v11  }
0x4e: {  	v13 =	vsel vm13, $0x7, v13;
	v11 =	vsel vm14, v14, v11  }
0x4f: {  	v13 =	vsel vm14, $0x8, v13;
	vm15 =	vgt.f32 v12, v11  }
0x50: {  	v11 =	vsel vm15, $0x9, v13;
	_ =	sdelay $0x4  }
0x51: {  	v11 =	vld.idx.msk [tilespmem:v11+s9+$0x0], $0xffff;
	_ =	sdelay $0x3  }
0x52: {  	s31 =	simm.s32 $0x20  }
0x53: {  	v12 =	vmov s31  }
0x54: {  	s14 =	simm.s32 $0x30;
	s13 =	simm.s32 $0x7B80;
	v12 =	vmul.u32 $0xA, v12  }
.LBB2_2:
0x55: {  	p0 =	sne.s32 s14, $0xC30  }
0x56: {  	v12 =	vbroadcast v12, $0x0;
	v11 =	vld.idx.msk [tilespmem:v11+s10+$0x0], $0xffff;
	_ =	sdelay $0x1  }
0x57: {  	v13 =	vadd.s32 v1, v12  }
0x58: {  	v14 =	vadd.s32 v0, v12;
	_ =	sdelay $0x1  }
0x59: {  	s13 =	sadd.s32 $0x10, s13;
	v15 =	vadd.s32 v3, v12  }
0x5a: {  	[tilespmem:s13+$0x0] =	vst v11  }
0x5b: {  	v11 =	vld.idx.msk [tilespmem:v13+s2+$0x0], $0xffff;
	v13 =	vadd.s32 v4, v12  }
0x5c: {  	v14 =	vld.idx.msk [tilespmem:v14+s2+$0x0], $0xffff  }
0x5d: {  	v16 =	vadd.s32 v5, v12  }
0x5e: {  	v15 =	vld.idx.msk [tilespmem:v15+s2+$0x0], $0xffff  }
0x5f: {  	v17 =	vadd.s32 v6, v12  }
0x60: {  	v13 =	vld.idx.msk [tilespmem:v13+s2+$0x0], $0xffff  }
0x61: {  	v18 =	vadd.s32 v7, v12  }
0x62: {  	vm0 =	vgt.f32 v11, v14;
	v16 =	vld.idx.msk [tilespmem:v16+s2+$0x0], $0xffff  }
0x63: {  	v11 =	vsel vm0, v11, v14;
	v14 =	vadd.s32 v8, v12  }
0x64: {  	vm1 =	vgt.f32 v15, v11;
	v17 =	vld.idx.msk [tilespmem:v17+s2+$0x0], $0xffff  }
0x65: {  	v11 =	vsel vm1, v15, v11;
	v15 =	vadd.s32 v9, v12  }
0x66: {  	vm2 =	vgt.f32 v13, v11;
	v18 =	vld.idx.msk [tilespmem:v18+s2+$0x0], $0xffff  }
0x67: {  	v12 =	vadd.s32 v10, v12;
	v11 =	vsel vm2, v13, v11  }
0x68: {  	vm3 =	vgt.f32 v16, v11;
	v13 =	vld.idx.msk [tilespmem:v14+s2+$0x0], $0xffff  }
0x69: {  	v11 =	vsel vm3, v16, v11  }
0x6a: {  	vm4 =	vgt.f32 v17, v11;
	v14 =	vld.idx.msk [tilespmem:v15+s2+$0x0], $0xffff  }
0x6b: {  	v15 =	vsel vm0, $0x1, v2;
	v11 =	vsel vm4, v17, v11  }
0x6c: {  	v15 =	vsel vm1, $0x2, v15;
	vm0 =	vgt.f32 v18, v11;
	v12 =	vld.idx.msk [tilespmem:v12+s2+$0x0], $0xffff  }
0x6d: {  	v15 =	vsel vm2, $0x3, v15;
	v11 =	vsel vm0, v18, v11  }
0x6e: {  	v15 =	vsel vm3, $0x4, v15;
	vm1 =	vgt.f32 v13, v11  }
0x6f: {  	v15 =	vsel vm4, $0x5, v15;
	v11 =	vsel vm1, v13, v11  }
0x70: {  	v13 =	vsel vm0, $0x6, v15;
	vm0 =	vgt.f32 v14, v11  }
0x71: {  	v13 =	vsel vm1, $0x7, v13;
	v11 =	vsel vm0, v14, v11  }
0x72: {  	v13 =	vsel vm0, $0x8, v13;
	vm0 =	vgt.f32 v12, v11  }
0x73: {  	v11 =	vsel vm0, $0x9, v13;
	_ =	sdelay $0x4  }
0x74: {  	v11 =	vld.idx.msk [tilespmem:v11+s9+$0x0], $0xffff;
	_ =	sdelay $0x1  }
.Ltmp0:
0x75: {  	(pc) =	sbr.rel @p0 .LBB2_2-.Ltmp0, $3  }
0x76: {  	_ =	sdelay $0x1  }
0x77: {  	v12 =	vmov s14  }
0x78: {  	s14 =	sadd.s32 $0x10, s14;
	v12 =	vmul.u32 $0xA, v12  }
0x79: {  	_ =	sdelay $0x2  }
0x7a: {  	v12 =	vbroadcast v12, $0x0  }
0x7b: {  	v11 =	vld.idx.msk [tilespmem:v11+s10+$0x0], $0xffff  }
0x7c: {  	v13 =	vadd.s32 v1, v12  }
0x7d: {  	v14 =	vadd.s32 v0, v12;
	_ =	sdelay $0x1  }
0x7e: {  	s13 =	sadd.s32 $0x10, s13;
	v15 =	vadd.s32 v3, v12  }
0x7f: {  	[tilespmem:s13+$0x0] =	vst v11  }
0x80: {  	v57 =	vadd.s32 v4, v12;
	v11 =	vld.idx.msk [tilespmem:v13+s2+$0x0], $0xffff  }
0x81: {  	v14 =	vld.idx.msk [tilespmem:v14+s2+$0x0], $0xffff  }
0x82: {  	v16 =	vadd.s32 v5, v12  }
0x83: {  	v15 =	vld.idx.msk [tilespmem:v15+s2+$0x0], $0xffff  }
0x84: {  	v17 =	vadd.s32 v6, v12  }
0x85: {  	v13 =	vld.idx.msk [tilespmem:v57+s2+$0x0], $0xffff  }
0x86: {  	v18 =	vadd.s32 v7, v12;
	vm0 =	vgt.f32 v11, v14  }
0x87: {  	v16 =	vld.idx.msk [tilespmem:v16+s2+$0x0], $0xffff;
	v11 =	vsel vm0, v11, v14  }
0x88: {  	v58 =	vadd.s32 v8, v12;
	vm1 =	vgt.f32 v15, v11  }
0x89: {  	v17 =	vld.idx.msk [tilespmem:v17+s2+$0x0], $0xffff;
	v11 =	vsel vm1, v15, v11  }
0x8a: {  	v59 =	vadd.s32 v9, v12;
	vm2 =	vgt.f32 v13, v11  }
0x8b: {  	v18 =	vld.idx.msk [tilespmem:v18+s2+$0x0], $0xffff;
	v11 =	vsel vm2, v13, v11  }
0x8c: {  	v12 =	vadd.s32 v10, v12;
	vm3 =	vgt.f32 v16, v11  }
0x8d: {  	v60 =	vld.idx.msk [tilespmem:v58+s2+$0x0], $0xffff;
	v11 =	vsel vm3, v16, v11  }
0x8e: {  	vm4 =	vgt.f32 v17, v11  }
0x8f: {  	v61 =	vld.idx.msk [tilespmem:v59+s2+$0x0], $0xffff;
	v62 =	vsel vm0, $0x1, v2;
	v11 =	vsel vm4, v17, v11  }
0x90: {  	v15 =	vsel vm1, $0x2, v62;
	vm12 =	vgt.f32 v18, v11  }
0x91: {  	v12 =	vld.idx.msk [tilespmem:v12+s2+$0x0], $0xffff;
	v15 =	vsel vm2, $0x3, v15;
	v11 =	vsel vm12, v18, v11  }
0x92: {  	v15 =	vsel vm3, $0x4, v15;
	vm13 =	vgt.f32 v60, v11  }
0x93: {  	v15 =	vsel vm4, $0x5, v15;
	v11 =	vsel vm13, v60, v11  }
0x94: {  	v63 =	vsel vm12, $0x6, v15;
	vm14 =	vgt.f32 v61, v11  }
0x95: {  	v13 =	vsel vm13, $0x7, v63;
	v11 =	vsel vm14, v61, v11  }
0x96: {  	v13 =	vsel vm14, $0x8, v13;
	vm15 =	vgt.f32 v12, v11  }
0x97: {  	v11 =	vsel vm15, $0x9, v13;
	_ =	sdelay $0x4  }
0x98: {  	v11 =	vld.idx.msk [tilespmem:v11+s9+$0x0], $0xffff;
	_ =	sdelay $0x7  }
0x99: {  	v11 =	vld.idx.msk [tilespmem:v11+s10+$0x0], $0xffff;
	_ =	sdelay $0x2  }
0x9a: {  	s12 =	sadd.s32 $0x1, s12  }
0x9b: {  	p0 =	sne.s32 s12, s7;
	s13 =	sadd.s32 $0x10, s13  }
.Ltmp1:
0x9c: {  	[tilespmem:s13+$0x0] =	vst v11;
	(pc) =	sbr.rel @p0 .LBB2_1-.Ltmp1, $4  }
0x9d: {  	[hbm4b:s6+s2] =	stream.linear.scatter [tilespmem:s11], [sflag:$0x1], $0xC40, $0x38;
	[tilespmem:$0x8800] =	vst v63  }
0x9e: {  	_ =	swait.ge [sflag:s8], $0xC40  }
0x9f: {  	[sflag:s8] =	ssyncset.done $0x0  }
0xa0: {  	[sflag:s8] =	ssyncadd.s32 $0xFFFFF3C0  }
0xa1: {  	_ =	sfence.sel $0x180000  }
0xa2: {  	[bflag:$0x0] =	sbarrier.arrive $0xFFFF  }
0xa3: {  	p0 =	sne.s32 s1, $0x0;
	_ =	strace $0x90000047  }
0xa4: {  	s0 =	sadd.s32 @!p0 $0x100000, s0;
	[bflag:$0x2] =	sbarrier.arrive $0xFFFF  }
0xa5: {  	[sflag:s0] =	ssyncadd.tile.s32 @!p0 $0x1;
	_ =	shalt  }
.Lfunc_end2:
_tile_overlayer_lowered:
.L_overlay_start_2:
0xa6: {  	(tag) =	ssettag $0x2  }
0xa7: {  	s0 =	rddreg [dreg:$0x0];
	s2 =	stileid.u32  }
0xa8: {  	s1 =	rddreg [dreg:$0x1];
	p0 =	sne.s32 s2, $0x0  }
0xa9: {  	s3 =	rddreg [dreg:$0x2];
	[bflag:$0x3] =	sbarrier.arrive $0xFFFF;
	s2 =	simm.s32 @!p0 $0x1C01  }
0xaa: {  	[timem:s3], [sflag:s2] =	dma.local @!p0 [hbm:s0], s1  }
0xab: {  	s0 =	simm.s32 @!p0 $0x1  }
0xac: {  	_ =	swait.ge @!p0 [sflag:s0], s1  }
0xad: {  	s1 =	ssub.s32 @!p0 $0x0, s1;
	[sflag:s0] =	ssyncset.done @!p0 $0x0  }
0xae: {  	[sflag:s0] =	ssyncadd.s32 @!p0 s1  }
0xaf: {  	[bflag:$0x3] =	sbarrier.arrive $0xFFFF  }
0xb0: {  	_ =	shalt  }

// kernel: kernel.7.cloned.1.call-start
scs
__scs_entry_jumppad:
0x0: {  	(pc) =	sbr.rel $0x88, $3  }
0x1: {  	(tag) =	ssettag $0x0;
	lr =	simm.s32 $0x1  }
0x2: {  	[smem:$0x3F9C] =	sst lr;
	_ =	strace $0xD0000000  }
0x3: {  	_ = 	snop  }
0x4: {  	_ = 	snop  }
0x5: {  	_ = 	snop  }
0x6: {  	_ = 	snop  }
0x7: {  	_ = 	snop  }
__scs_overlays_trampoline_lowered:
0x8: {  	[smem:$0x3FAB] =	sst s0  }
0x9: {  	[smem:$0x3FAC] =	sst s1  }
0xa: {  	[smem:$0x3FAD] =	sst s2  }
0xb: {  	[smem:$0x3FAE] =	sst s3  }
0xc: {  	[smem:$0x3FAF] =	sst s4  }
0xd: {  	[smem:$0x3FB0] =	sst s5  }
0xe: {  	[smem:$0x3FB1] =	sst s6  }
0xf: {  	[smem:$0x3FB2] =	sst s7  }
0x10: {  	[smem:$0x3FB3] =	sst s8  }
0x11: {  	[smem:$0x3FB4] =	sst s9;
	s0 =	simm.s32 @!p0 $0x0  }
0x12: {  	s1 =	sld [smem:$0x3F9A];
	s0 =	simm.s32 @p0 $0x1  }
0x13: {  	[smem:$0x3FB5] =	sst s0;
	s0 =	simm.s32 @!p1 $0x0  }
0x14: {  	s2 =	sld [smem:$0x3F99];
	s0 =	simm.s32 @p1 $0x1  }
0x15: {  	[smem:$0x3FB6] =	sst s0;
	s0 =	simm.s32 @!p2 $0x0  }
0x16: {  	s3 =	sld [smem:$0x3FDB];
	s0 =	simm.s32 @p2 $0x1  }
0x17: {  	s4 =	simm.s32 $0x1BF5;
	[smem:$0x3FB8] =	sst s0  }
0x18: {  	s0 =	sld [smem:$0x3F9B];
	_ =	swait.ge [sflag:s4], $0x0  }
0x19: {  	s7 =	sld [smem:$0x3F9C]  }
0x1a: {  	s8 =	sadd.s32 $0xFFFFE003, lr  }
0x1b: {  	s9 =	sadd.s32 $0xFFFFFEF7, lr;
	s5 =	simm.s32 $0xFFFFFFFF;
	p2 =	slt.u32 s8, $0xFFFFF086  }
0x1c: {  	p1 =	slt.u32 s9, $0xF7A;
	s5 =	simm.s32 @!p2 $0x0  }
0x1d: {  	s5 =	simm.s32 @p1 $0x1;
	p0 =	seq.s32 s7, s2  }
0x1e: {  	s7 =	smul.u32 @!p0 $0xF7A, s2;
	p2 =	seq.s32 @!p0 s5, $0x0  }
0x1f: {  	s9 =	smul.u32 $0xF7A, s1;
	s8 =	simm.s32 @!p0 $0x1BF5;
	p2 =	por !p2, p0  }
0x20: {  	[sflag:s8] =	ssyncset.s32 @!p0 $0xFFFFF086;
	s6 =	sadd.s32 @!p0 s3, s7;
	s7 =	simm.s32 @!p0 $0x108  }
0x21: {  	s3 =	sadd.s32 s3, s9;
	s6 =	sadd.s32 @!p0 $0x88, s6;
	s7 =	simm.s32 @p2 $0x1082  }
0x22: {  	[simem:s7], [sflag:s8] =	dma.local @!p0 [hbm:s6], $0xF7A  }
0x23: {  	s9 =	sor.u32 $0xD0000000, s2;
	s6 =	simm.s32 $0x108;
	_ =	swait.ge @!p0 [sflag:s8], $0x0  }
0x24: {  	s3 =	sadd.s32 $0x88, s3;
	s6 =	simm.s32 @!p1 $0x1082;
	[sflag:s4] =	ssyncset.s32 $0xFFFFF086  }
0x25: {  	[simem:s6], [sflag:s4] =	dma.local [hbm:s3], $0xF7A  }
0x26: {  	[smem:$0x3F9C] =	sst s1;
	(tag) =	ssettag s2;
	_ =	strace s9  }
0x27: {  	s1 =	sld [smem:$0x3FAC]  }
0x28: {  	s2 =	sld [smem:$0x3FAD]  }
0x29: {  	s4 =	sld [smem:$0x3FAF]  }
0x2a: {  	p0 =	seq.s32 s5, $0x0;
	s5 =	sld [smem:$0x3FB0]  }
0x2b: {  	s6 =	sld [smem:$0x3FB1]  }
0x2c: {  	s7 =	sld [smem:$0x3FB2]  }
0x2d: {  	s3 =	simm.s32 $0x108;
	s8 =	sld [smem:$0x3FB3]  }
0x2e: {  	s3 =	simm.s32 @!p0 $0x1082;
	s9 =	sld [smem:$0x3FB4]  }
0x2f: {  	lr =	sadd.s32 s0, s3;
	s0 =	sld [smem:$0x3FAB]  }
0x30: {  	s3 =	sld [smem:$0x3FAE]  }
0x31: {  	[smem:$0x3FB7] =	sst s10  }
0x32: {  	s10 =	sld [smem:$0x3FB5];
	_ =	sdelay $0x3  }
0x33: {  	p0 =	seq.s32 s10, $0x1;
	s10 =	sld [smem:$0x3FB7];
	_ =	sdelay $0x3  }
0x34: {  	[smem:$0x3FB7] =	sst s10  }
0x35: {  	s10 =	sld [smem:$0x3FB6];
	_ =	sdelay $0x3  }
0x36: {  	p1 =	seq.s32 s10, $0x1;
	s10 =	sld [smem:$0x3FB7];
	_ =	sdelay $0x3  }
0x37: {  	[smem:$0x3FB7] =	sst s10  }
0x38: {  	s10 =	sld [smem:$0x3FB8]  }
0x39: {  	_ = 	snop;
	(pc) =	sbr.ind lr, $3  }
0x3a: {  	_ = 	snop  }
0x3b: {  	_ = 	snop  }
0x3c: {  	p2 =	seq.s32 s10, $0x1;
	s10 =	sld [smem:$0x3FB7]  }
0x3d: {  	_ =	shalt  }
0x3e: {  	_ =	shalt  }
0x3f: {  	_ =	shalt  }
0x40: {  	_ =	shalt  }
0x41: {  	_ =	shalt  }
0x42: {  	_ =	shalt  }
0x43: {  	_ =	shalt  }
0x44: {  	_ =	shalt  }
0x45: {  	_ =	shalt  }
0x46: {  	_ =	shalt  }
0x47: {  	_ =	shalt  }
0x48: {  	_ =	shalt  }
0x49: {  	_ =	shalt  }
0x4a: {  	_ =	shalt  }
0x4b: {  	_ =	shalt  }
0x4c: {  	_ =	shalt  }
0x4d: {  	_ =	shalt  }
0x4e: {  	_ =	shalt  }
0x4f: {  	_ =	shalt  }
0x50: {  	_ =	shalt  }
0x51: {  	_ =	shalt  }
0x52: {  	_ =	shalt  }
0x53: {  	_ =	shalt  }
0x54: {  	_ =	shalt  }
0x55: {  	_ =	shalt  }
0x56: {  	_ =	shalt  }
0x57: {  	_ =	shalt  }
0x58: {  	_ =	shalt  }
0x59: {  	_ =	shalt  }
0x5a: {  	_ =	shalt  }
0x5b: {  	_ =	shalt  }
0x5c: {  	_ =	shalt  }
0x5d: {  	_ =	shalt  }
0x5e: {  	_ =	shalt  }
0x5f: {  	_ =	shalt  }
0x60: {  	_ =	shalt  }
0x61: {  	_ =	shalt  }
0x62: {  	_ =	shalt  }
0x63: {  	_ =	shalt  }
0x64: {  	_ =	shalt  }
0x65: {  	_ =	shalt  }
0x66: {  	_ =	shalt  }
0x67: {  	_ =	shalt  }
0x68: {  	_ =	shalt  }
0x69: {  	_ =	shalt  }
0x6a: {  	_ =	shalt  }
0x6b: {  	_ =	shalt  }
0x6c: {  	_ =	shalt  }
0x6d: {  	_ =	shalt  }
0x6e: {  	_ =	shalt  }
0x6f: {  	_ =	shalt  }
0x70: {  	_ =	shalt  }
0x71: {  	_ =	shalt  }
0x72: {  	_ =	shalt  }
0x73: {  	_ =	shalt  }
0x74: {  	_ =	shalt  }
0x75: {  	_ =	shalt  }
0x76: {  	_ =	shalt  }
0x77: {  	_ =	shalt  }
0x78: {  	_ =	shalt  }
0x79: {  	_ =	shalt  }
0x7a: {  	_ =	shalt  }
0x7b: {  	_ =	shalt  }
0x7c: {  	_ =	shalt  }
0x7d: {  	_ =	shalt  }
0x7e: {  	_ =	shalt  }
0x7f: {  	_ =	shalt  }
0x80: {  	_ =	shalt  }
0x81: {  	_ =	shalt  }
0x82: {  	_ =	shalt  }
0x83: {  	_ =	shalt  }
0x84: {  	_ =	shalt  }
0x85: {  	_ =	shalt  }
0x86: {  	_ =	shalt  }
0x87: {  	_ =	shalt  }
.Lfunc_end0:
.L_simem_size_0:
called_computation.1_lowered:
.L_overlay_start_0:
0x88: {  	s2 =	sld [smem:$0x3FD9]  }
0x89: {  	s3 =	sld [smem:$0x3FFE];
	_ =	sdelay $0x1  }
0x8a: {  	s1 =	srdreg.scid  }
0x8b: {  	s0 =	sand.u32 $0x1, s1  }
0x8c: {  	s17 =	sshll.u32 s0, $0xA;
	s2 =	sadd.s32 s3, s2  }
0x8d: {  	s2 =	sadd.s32 s2, s17  }
0x8e: {  	[smem:$0x3FC3] =	sst s2  }
0x8f: {  	_ = 	snop  }
0x90: {  	s2 =	sld [smem:$0x3FC9]  }
0x91: {  	s18 =	sld [smem:$0x3FD0];
	(tm) =	ssettm $0x1  }
0x92: {  	s4 =	sld [smem:$0x3FFB];
	_ =	sdelay $0x3  }
0x93: {  	_ =	strace s4  }
0x94: {  	s4 =	sld [smem:$0x3FFC];
	_ =	sdelay $0x3  }
0x95: {  	_ =	strace s4  }
0x96: {  	s4 =	sld [smem:$0x3FFD];
	_ =	sdelay $0x3  }
0x97: {  	_ =	strace s4  }
0x98: {  	_ =	strace $0x8FFFFFFF  }
0x99: {  	s19 =	sld [smem:$0x3FDB];
	_ =	sdelay $0x1  }
0x9a: {  	s5 =	simm.s32 $_scs_section_size  }
0x9b: {  	s6 =	simm.s32 $_size__tile_overlayer_lowered;
	s7 =	simm.s32 $_tile_overlayer_lowered  }
0x9c: {  	s22 =	simm.s32 $0x1BFF;
	s21 =	sshll.u32 s7, $0x1;
	s4 =	sadd.s32 s5, s19  }
0x9d: {  	s8 =	simm.s32 $0x0;
	s20 =	sshll.u32 s6, $0x1;
	s6 =	sadd.s32 s21, s4  }
0x9e: {  	[timem:s8], [sflag:s22] =	dma.local [hbm:s6], s20  }
0x9f: {  	_ =	swait.ge [sflag:s22], s20  }
0xa0: {  	s5 =	ssub.s32 $0x0, s20;
	[sflag:s22] =	ssyncset.done $0x0  }
0xa1: {  	[sflag:s22] =	ssyncadd.s32 s5;
	_ =	sdelay $0x1  }
0xa2: {  	s23 =	simm.s32 $0x1B8B  }
0xa3: {  	_ =	swait.ge [sflag:s23], $0x1  }
0xa4: {  	[sflag:s23] =	ssyncset.done $0x0  }
0xa5: {  	s25 =	simm.s32 $0x1B8E;
	s24 =	sld [smem:$0x3FFE];
	[sflag:s23] =	ssyncadd.s32 $0xFFFFFFFF  }
0xa6: {  	s26 =	simm.s32 $execute0_lowered;
	[smem:$0x3FD2] =	sst s25  }
0xa7: {  	s6 =	sshll.u32 s26, $0x1;
	_ =	strace $0x80000049;
	[dreg:$0x1] =	wrdreg $0xFFFFFFFF  }
0xa8: {  	s28 =	simm.s32 $_size_execute0_lowered;
	s4 =	sadd.s32 s4, s6;
	[dreg:$0x0] =	wrdreg $0x0  }
0xa9: {  	s6 =	sshll.u32 s28, $0x1;
	[dreg:$0x2] =	wrdreg s4  }
0xaa: {  	[dreg:$0x3] =	wrdreg s6  }
0xab: {  	[dreg:$0x4] =	wrdreg $0xC0  }
0xac: {  	_ =	task [dreg:s8], $0x5FFFF  }
0xad: {  	[dreg:$0x1] =	wrdreg $0xFFFFFFFF  }
0xae: {  	[dreg:$0x0] =	wrdreg $0x60  }
0xaf: {  	[dreg:$0x2] =	wrdreg s24  }
0xb0: {  	[dreg:$0x3] =	wrdreg s2  }
0xb1: {  	[dreg:$0x4] =	wrdreg s18  }
0xb2: {  	[dreg:$0x5] =	wrdreg $0x9  }
0xb3: {  	_ =	task.clear_ibuf [dreg:s8], $0x6FFFF;
	_ =	strace $0x90000049  }
0xb4: {  	s29 =	simm.s32 $0x9;
	_ =	strace $0x8000004B  }
0xb5: {  	_ =	swait.ge [sflag:s29], $0x1  }
0xb6: {  	[sflag:s29] =	ssyncadd.s32 $0xFFFFFFFF  }
0xb7: {  	_ =	strace $0x9000004B  }
0xb8: {  	_ =	sfence  }
0xb9: {  	s30 =	sld [smem:$0x0];
	_ =	sdelay $0x2  }
0xba: {  	s31 =	sshll.u32 s1, $0xD;
	s1 =	sshrl.u32 s1, $0x2  }
0xbb: {  	s3 =	sand.u32 $0x4000, s31;
	s1 =	sadd.s32 s1, s30  }
0xbc: {  	s0 =	sor.u32 s3, s0;
	s1 =	sshll.u32 s1, $0x11  }
0xbd: {  	s0 =	sor.u32 s1, s0  }
0xbe: {  	s0 =	sadd.s32 $0x8F2B, s0  }
0xbf: {  	[sflag:s0] =	ssyncadd.remote.s32 $0x1  }
0xc0: {  	_ =	sfence.sel $0xFFFF  }
0xc1: {  	[dreg:$0x0] =	wrdreg $0xFFFFFFFF;
	(pc) =	sbr.abs _section_cstart, $3  }
0xc2: {  	[dreg:$0x1] =	wrdreg $0xFFFFFFFF  }
0xc3: {  	_ =	task.clear_ibuf [dreg:s8], $0x2FFFF;
	_ =	strace $0x9FFFFFFF  }
0xc4: {  	(tm) =	ssettm $0x7FFFFFFF  }
0xc5: {  	_ =	shalt  }
tec
execute0_lowered:
.L_overlay_start_1:
0x0: {  	(tag) =	ssettag $0x1  }
0x1: {  	s7 =	rddreg [dreg:$0x0]  }
0x2: {  	s1 =	rddreg [dreg:$0x1]  }
0x3: {  	s2 =	rddreg [dreg:$0x2]  }
0x4: {  	s0 =	rddreg [dreg:$0x3];
	s3 =	simm.s32 $0x0  }
0x5: {  	s4 =	srdreg.scid;
	s11 =	simm.s32 $0x18800;
	s12 =	simm.s32 $0x19000  }
0x6: {  	s13 =	simm.s32 $0x19800;
	s14 =	simm.s32 $0x1A000;
	s15 =	simm.s32 $0x0  }
0x7: {  	[smem:$0x7FF] =	sst s3;
	s6 =	sand.u32 $0x1, s4;
	s5 =	sadd.s32 $0x1200, s7  }
0x8: {  	s4 =	stileid.u32;
	_ =	strace $0x8000004A;
	s8 =	ssub.s32 $0x2, s6  }
0x9: {  	s10 =	sshll.u32 s6, $0x4;
	s6 =	sadd.s32 $0xC7A00, s7;
	s9 =	sshrl.u32 s8, $0x1  }
0xa: {  	s7 =	sadd.s32 $0x4400, s7;
	s31 =	sor.u32 s4, s10;
	s9 =	ssub.s32 s8, s9  }
0xb: {  	v0 =	vimm.s32 $0x0;
	s10 =	simm.s32 $0x1;
	s8 =	smul.u32 $0x30D40, s31;
	s9 =	smax.u32 s9, $0x1  }
.LBB2_1:
0xc: {  	[tilespmem:s3], [sflag:$0x1] =	stream.linear.gather [hbm4b:s5+s3], $0x18800, $0x38;
	[tilespmem:$0x1A800] =	vst v63  }
0xd: {  	_ =	swait.ge [sflag:s10], $0x18800  }
0xe: {  	[sflag:s10] =	ssyncset.done $0x0  }
0xf: {  	s16 =	simm.s32 $0x0;
	[sflag:s10] =	ssyncadd.s32 $0xFFFE7800  }
.LBB2_2:
0x10: {  	s17 =	smul.u32 $0x7D0, s16;
	_ =	sdelay $0x1  }
0x11: {  	s17 =	sadd.s32 s8, s17  }
0x12: {  	s17 =	sshrl.u32 s17, $0x3  }
0x13: {  	s19 =	simm.s32 $0x0;
	s18 =	sadd.s32 s6, s17  }
0x14: {  	[tilespmem:s11], [sflag:$0x1] =	stream.linear.gather [hbm4b:s18+s19], $0x7D0, $0x38;
	[tilespmem:$0x1A800] =	vst v63  }
0x15: {  	_ =	swait.ge [sflag:s10], $0x7D0  }
0x16: {  	[sflag:s10] =	ssyncset.done $0x0  }
0x17: {  	s30 =	sadd.s32 s7, s17;
	[sflag:s10] =	ssyncadd.s32 $0xFFFFF830  }
0x18: {  	[tilespmem:s12], [sflag:$0x1] =	stream.linear.gather [hbm4b:s30+s19], $0x7D0, $0x38;
	[tilespmem:$0x1A800] =	vst v63  }
0x19: {  	_ =	swait.ge [sflag:s10], $0x7D0  }
0x1a: {  	[sflag:s10] =	ssyncset.done $0x0  }
0x1b: {  	s31 =	sadd.s32 s1, s17;
	[sflag:s10] =	ssyncadd.s32 $0xFFFFF830  }
0x1c: {  	[tilespmem:s13], [sflag:$0x1] =	stream.linear.gather [hbm4b:s31+s19], $0x7D0, $0x38;
	[tilespmem:$0x1A800] =	vst v63  }
0x1d: {  	_ =	swait.ge [sflag:s10], $0x7D0  }
0x1e: {  	[sflag:s10] =	ssyncset.done $0x0  }
0x1f: {  	s18 =	simm.s32 $0x0;
	[sflag:s10] =	ssyncadd.s32 $0xFFFFF830  }
0x20: {  	v1 =	vld [tilespmem:s18+$0x19000]  }
0x21: {  	v2 =	vld [tilespmem:s18+$0x18800];
	_ =	sdelay $0x6  }
0x22: {  	v1 =	vld.idx.msk [tilespmem:v1+s3+$0x0], $0xffff  }
0x23: {  	v2 =	vld.idx.msk [tilespmem:v2+s3+$0x0], $0xffff;
	_ =	sdelay $0x4  }
0x24: {  	v1 =	vadd.f32 v1, v2;
	_ =	sdelay $0x1  }
0x25: {  	v1 =	vmul.f32 $5.000000000e-01, v1;
	_ =	sdelay $0x1  }
0x26: {  	(erf) = vrcp.f32 v1;
	_ =	sdelay $0x4  }
0x27: {  	v1 =	vld [tilespmem:s18+$0x19800];
	_ =	sdelay $0x3  }
0x28: {  	v2 =	vpop (erf)  }
0x29: {  	v1 =	vmul.f32 v2, v1;
	_ =	sdelay $0x1  }
0x2a: {  	v2 =	vand.u32 $0x7FFFFF, v1  }
0x2b: {  	v2 =	vor.u32 $0x3F800000, v2  }
0x2c: {  	v3 =	vmul.f32 $5.000000000e-01, v2  }
0x2d: {  	vm0 =	vgt.f32 v2, $1.414213540e+00  }
0x2e: {  	v2 =	vsel vm0, v3, v2  }
0x2f: {  	v3 =	vadd.f32 $1.000000000e+00, v2;
	_ =	sdelay $0x1  }
0x30: {  	(erf) = vrcp.f32 v3;
	_ =	sdelay $0x7  }
0x31: {  	v2 =	vadd.f32 $-1.000000000e+00, v2  }
0x32: {  	v3 =	vpop (erf)  }
0x33: {  	v2 =	vmul.f32 v3, v2;
	_ =	sdelay $0x1  }
0x34: {  	v3 =	vmul.f32 v2, v2;
	_ =	sdelay $0x1  }
0x35: {  	v4 =	vmul.f32 $1.111111120e-01, v3;
	_ =	sdelay $0x1  }
0x36: {  	v4 =	vadd.f32 $1.428571490e-01, v4;
	_ =	sdelay $0x1  }
0x37: {  	v4 =	vmul.f32 v4, v3;
	_ =	sdelay $0x1  }
0x38: {  	v4 =	vadd.f32 $2.000000030e-01, v4;
	_ =	sdelay $0x1  }
0x39: {  	v4 =	vmul.f32 v4, v3;
	_ =	sdelay $0x1  }
0x3a: {  	v4 =	vadd.f32 $3.333333430e-01, v4  }
0x3b: {  	v1 =	vshrl.u32 v1, $0x17;
	v5 =	vsel vm0, $0x1, v0  }
0x3c: {  	v1 =	vadd.s32 v5, v1;
	v3 =	vmul.f32 v4, v3  }
0x3d: {  	v1 =	vadd.s32 $0xFFFFFF81, v1  }
0x3e: {  	v1 =	vcvt.s32.f32 v1;
	v2 =	vadd.f32 v2, v2;
	v3 =	vadd.f32 $1.000000000e+00, v3;
	_ =	sdelay $0x1  }
0x3f: {  	v1 =	vmul.f32 $6.931471820e-01, v1;
	v2 =	vmul.f32 v3, v2;
	_ =	sdelay $0x1  }
0x40: {  	v1 =	vadd.f32 v2, v1;
	_ =	sdelay $0x1  }
0x41: {  	v2 =	vmul.f32 $9.182999730e-01, v1  }
0x42: {  	v1 =	vmul.f32 $-3.660799980e+00, v1  }
0x43: {  	v2 =	vmul.f32 $1.442695020e+00, v2  }
0x44: {  	v1 =	vmul.f32 $1.442695020e+00, v1  }
0x45: {  	(erf) = vpow2.f32 v2  }
0x46: {  	(erf) = vpow2.f32 v1;
	_ =	sdelay $0x7  }
0x47: {  	v2 =	vpop (erf)  }
0x48: {  	v1 =	vpop (erf)  }
0x49: {  	v2 =	vmul.f32 $1.080500010e+00, v2;
	v1 =	vadd.f32 $1.000000000e+00, v1;
	_ =	sdelay $0x1  }
0x4a: {  	v3 =	vadd.f32 v2, v1;
	_ =	sdelay $0x1  }
0x4b: {  	(erf) = vrcp.f32 v3;
	_ =	sdelay $0x3  }
0x4c: {  	s20 =	simm.s32 $0x10  }
0x4d: {  	v2 =	vld [tilespmem:s20+$0x19000]  }
0x4e: {  	s19 =	simm.s32 $0x80;
	v3 =	vld [tilespmem:s20+$0x18800]  }
.LBB2_3:
0x4f: {  	p0 =	sne.s32 s19, $0x1F00;
	_ =	sdelay $0x1  }
0x50: {  	v4 =	vpop (erf)  }
0x51: {  	v1 =	vmul.f32 v4, v1;
	_ =	sdelay $0x1  }
0x52: {  	[tilespmem:s18+$0x1A000] =	vst v1;
	s18 =	smov.u32 s20  }
0x53: {  	v1 =	vld.idx.msk [tilespmem:v2+s3+$0x0], $0xffff  }
0x54: {  	v2 =	vld.idx.msk [tilespmem:v3+s3+$0x0], $0xffff;
	_ =	sdelay $0x5  }
0x55: {  	v1 =	vadd.f32 v1, v2;
	_ =	sdelay $0x1  }
0x56: {  	v1 =	vmul.f32 $5.000000000e-01, v1;
	_ =	sdelay $0x1  }
0x57: {  	(erf) = vrcp.f32 v1;
	_ =	sdelay $0x4  }
0x58: {  	v1 =	vld [tilespmem:s18+$0x19800];
	_ =	sdelay $0x3  }
0x59: {  	v2 =	vpop (erf)  }
0x5a: {  	v1 =	vmul.f32 v2, v1;
	_ =	sdelay $0x1  }
0x5b: {  	v2 =	vand.u32 $0x7FFFFF, v1  }
0x5c: {  	v2 =	vor.u32 $0x3F800000, v2  }
0x5d: {  	v3 =	vmul.f32 $5.000000000e-01, v2  }
0x5e: {  	vm0 =	vgt.f32 v2, $1.414213540e+00  }
0x5f: {  	v2 =	vsel vm0, v3, v2  }
0x60: {  	v3 =	vadd.f32 $1.000000000e+00, v2;
	_ =	sdelay $0x1  }
0x61: {  	(erf) = vrcp.f32 v3;
	_ =	sdelay $0x7  }
0x62: {  	v2 =	vadd.f32 $-1.000000000e+00, v2  }
0x63: {  	v3 =	vpop (erf)  }
0x64: {  	v2 =	vmul.f32 v3, v2;
	_ =	sdelay $0x1  }
0x65: {  	v3 =	vmul.f32 v2, v2;
	_ =	sdelay $0x1  }
0x66: {  	v4 =	vmul.f32 $1.111111120e-01, v3;
	_ =	sdelay $0x1  }
0x67: {  	v4 =	vadd.f32 $1.428571490e-01, v4;
	_ =	sdelay $0x1  }
0x68: {  	v4 =	vmul.f32 v4, v3;
	_ =	sdelay $0x1  }
0x69: {  	v4 =	vadd.f32 $2.000000030e-01, v4;
	_ =	sdelay $0x1  }
0x6a: {  	v4 =	vmul.f32 v4, v3;
	_ =	sdelay $0x1  }
0x6b: {  	v4 =	vadd.f32 $3.333333430e-01, v4  }
0x6c: {  	v1 =	vshrl.u32 v1, $0x17;
	v5 =	vsel vm0, $0x1, v0  }
0x6d: {  	v1 =	vadd.s32 v5, v1;
	v3 =	vmul.f32 v4, v3  }
0x6e: {  	v1 =	vadd.s32 $0xFFFFFF81, v1  }
0x6f: {  	v1 =	vcvt.s32.f32 v1;
	v2 =	vadd.f32 v2, v2;
	v3 =	vadd.f32 $1.000000000e+00, v3;
	_ =	sdelay $0x1  }
0x70: {  	v1 =	vmul.f32 $6.931471820e-01, v1;
	v2 =	vmul.f32 v3, v2;
	_ =	sdelay $0x1  }
0x71: {  	v1 =	vadd.f32 v2, v1;
	_ =	sdelay $0x1  }
0x72: {  	v2 =	vmul.f32 $9.182999730e-01, v1  }
0x73: {  	v1 =	vmul.f32 $-3.660799980e+00, v1  }
0x74: {  	v2 =	vmul.f32 $1.442695020e+00, v2  }
0x75: {  	v1 =	vmul.f32 $1.442695020e+00, v1  }
0x76: {  	(erf) = vpow2.f32 v2  }
0x77: {  	(erf) = vpow2.f32 v1;
	_ =	sdelay $0x7  }
0x78: {  	v2 =	vpop (erf)  }
0x79: {  	v1 =	vpop (erf)  }
0x7a: {  	v2 =	vmul.f32 $1.080500010e+00, v2;
	v1 =	vadd.f32 $1.000000000e+00, v1;
	_ =	sdelay $0x1  }
0x7b: {  	v2 =	vadd.f32 v2, v1;
	_ =	sdelay $0x1  }
0x7c: {  	(erf) = vrcp.f32 v2;
	_ =	sdelay $0x1  }
.Ltmp0:
0x7d: {  	(pc) =	sbr.rel @p0 .LBB2_3-.Ltmp0, $4  }
0x7e: {  	_ = 	snop  }
0x7f: {  	s20 =	sshra.s32 s19, $0x2  }
0x80: {  	v2 =	vld [tilespmem:s20+$0x19000]  }
0x81: {  	s19 =	sadd.s32 $0x40, s19;
	v3 =	vld [tilespmem:s20+$0x18800]  }
0x82: {  	_ =	sdelay $0x2  }
0x83: {  	v4 =	vpop (erf)  }
0x84: {  	v1 =	vmul.f32 v4, v1;
	_ =	sdelay $0x1  }
0x85: {  	[tilespmem:s18+$0x1A000] =	vst v1  }
0x86: {  	v1 =	vld.idx.msk [tilespmem:v2+s3+$0x0], $0xffff  }
0x87: {  	v2 =	vld.idx.msk [tilespmem:v3+s3+$0x0], $0xffff;
	_ =	sdelay $0x4  }
0x88: {  	v1 =	vadd.f32 v1, v2;
	_ =	sdelay $0x1  }
0x89: {  	v1 =	vmul.f32 $5.000000000e-01, v1;
	_ =	sdelay $0x1  }
0x8a: {  	(erf) = vrcp.f32 v1;
	_ =	sdelay $0x4  }
0x8b: {  	v1 =	vld [tilespmem:s20+$0x19800];
	_ =	sdelay $0x3  }
0x8c: {  	v2 =	vpop (erf)  }
0x8d: {  	v1 =	vmul.f32 v2, v1;
	_ =	sdelay $0x1  }
0x8e: {  	v2 =	vand.u32 $0x7FFFFF, v1  }
0x8f: {  	v2 =	vor.u32 $0x3F800000, v2  }
0x90: {  	v3 =	vmul.f32 $5.000000000e-01, v2  }
0x91: {  	vm0 =	vgt.f32 v2, $1.414213540e+00  }
0x92: {  	v2 =	vsel vm0, v3, v2  }
0x93: {  	v3 =	vadd.f32 $1.000000000e+00, v2;
	_ =	sdelay $0x1  }
0x94: {  	(erf) = vrcp.f32 v3;
	_ =	sdelay $0x7  }
0x95: {  	v2 =	vadd.f32 $-1.000000000e+00, v2  }
0x96: {  	v3 =	vpop (erf)  }
0x97: {  	v2 =	vmul.f32 v3, v2;
	_ =	sdelay $0x1  }
0x98: {  	v3 =	vmul.f32 v2, v2;
	_ =	sdelay $0x1  }
0x99: {  	v63 =	vmul.f32 $1.111111120e-01, v3;
	_ =	sdelay $0x1  }
0x9a: {  	v4 =	vadd.f32 $1.428571490e-01, v63;
	_ =	sdelay $0x1  }
0x9b: {  	v4 =	vmul.f32 v4, v3;
	_ =	sdelay $0x1  }
0x9c: {  	v4 =	vadd.f32 $2.000000030e-01, v4;
	_ =	sdelay $0x1  }
0x9d: {  	v4 =	vmul.f32 v4, v3;
	_ =	sdelay $0x1  }
0x9e: {  	v4 =	vadd.f32 $3.333333430e-01, v4  }
0x9f: {  	v1 =	vshrl.u32 v1, $0x17;
	v5 =	vsel vm0, $0x1, v0  }
0xa0: {  	v1 =	vadd.s32 v5, v1;
	v3 =	vmul.f32 v4, v3  }
0xa1: {  	v1 =	vadd.s32 $0xFFFFFF81, v1  }
0xa2: {  	v1 =	vcvt.s32.f32 v1;
	v2 =	vadd.f32 v2, v2;
	v3 =	vadd.f32 $1.000000000e+00, v3;
	_ =	sdelay $0x1  }
0xa3: {  	v1 =	vmul.f32 $6.931471820e-01, v1;
	v2 =	vmul.f32 v3, v2;
	_ =	sdelay $0x1  }
0xa4: {  	v1 =	vadd.f32 v2, v1;
	_ =	sdelay $0x1  }
0xa5: {  	v2 =	vmul.f32 $9.182999730e-01, v1  }
0xa6: {  	v1 =	vmul.f32 $-3.660799980e+00, v1  }
0xa7: {  	v2 =	vmul.f32 $1.442695020e+00, v2  }
0xa8: {  	v1 =	vmul.f32 $1.442695020e+00, v1  }
0xa9: {  	(erf) = vpow2.f32 v2  }
0xaa: {  	(erf) = vpow2.f32 v1;
	_ =	sdelay $0x7  }
0xab: {  	v1 =	vpop (erf)  }
0xac: {  	v2 =	vpop (erf)  }
0xad: {  	v1 =	vmul.f32 $1.080500010e+00, v1;
	v2 =	vadd.f32 $1.000000000e+00, v2;
	_ =	sdelay $0x1  }
0xae: {  	v1 =	vadd.f32 v1, v2;
	_ =	sdelay $0x1  }
0xaf: {  	(erf) = vrcp.f32 v1;
	_ =	sdelay $0x8  }
0xb0: {  	v1 =	vpop (erf)  }
0xb1: {  	s16 =	sadd.s32 $0x1, s16;
	v1 =	vmul.f32 v1, v2  }
0xb2: {  	p0 =	sne.s32 s16, $0x64  }
.Ltmp1:
0xb3: {  	s17 =	sadd.s32 s2, s17;
	[tilespmem:s20+$0x1A000] =	vst v1;
	(pc) =	sbr.rel @p0 .LBB2_2-.Ltmp1, $4  }
0xb4: {  	[hbm4b:s17+s3] =	stream.linear.scatter [tilespmem:s14], [sflag:$0x1], $0x7D0, $0x38;
	[tilespmem:$0x1A800] =	vst v63  }
0xb5: {  	_ =	swait.ge [sflag:s10], $0x7D0  }
0xb6: {  	[sflag:s10] =	ssyncset.done $0x0  }
0xb7: {  	[sflag:s10] =	ssyncadd.s32 $0xFFFFF830  }
0xb8: {  	s15 =	sadd.s32 $0x1, s15  }
0xb9: {  	p0 =	sne.s32 s15, s9  }
.Ltmp2:
0xba: {  	_ = 	snop;
	(pc) =	sbr.rel @p0 .LBB2_1-.Ltmp2, $1  }
0xbb: {  	_ =	sdelay $0x3  }
0xbc: {  	_ =	sfence.sel $0x180000  }
0xbd: {  	[bflag:$0x0] =	sbarrier.arrive $0xFFFF  }
0xbe: {  	p0 =	sne.s32 s4, $0x0;
	_ =	strace $0x9000004A  }
0xbf: {  	s0 =	sadd.s32 @!p0 $0x100000, s0;
	[bflag:$0x2] =	sbarrier.arrive $0xFFFF  }
0xc0: {  	[sflag:s0] =	ssyncadd.tile.s32 @!p0 $0x1;
	_ =	shalt  }
.Lfunc_end2:
_tile_overlayer_lowered:
.L_overlay_start_2:
0xc1: {  	(tag) =	ssettag $0x2  }
0xc2: {  	s0 =	rddreg [dreg:$0x0];
	s2 =	stileid.u32  }
0xc3: {  	s1 =	rddreg [dreg:$0x1];
	p0 =	sne.s32 s2, $0x0  }
0xc4: {  	s3 =	rddreg [dreg:$0x2];
	[bflag:$0x3] =	sbarrier.arrive $0xFFFF;
	s2 =	simm.s32 @!p0 $0x1C01  }
0xc5: {  	[timem:s3], [sflag:s2] =	dma.local @!p0 [hbm:s0], s1  }
0xc6: {  	s0 =	simm.s32 @!p0 $0x1  }
0xc7: {  	_ =	swait.ge @!p0 [sflag:s0], s1  }
0xc8: {  	s1 =	ssub.s32 @!p0 $0x0, s1;
	[sflag:s0] =	ssyncset.done @!p0 $0x0  }
0xc9: {  	[sflag:s0] =	ssyncadd.s32 @!p0 s1  }
0xca: {  	[bflag:$0x3] =	sbarrier.arrive $0xFFFF  }
0xcb: {  	_ =	shalt  }

</sc_bundles>
